<compile_context>
chip_gen: v7x
topology: tpu7x:2x2x1
jax: 0.10.2.dev20260603
libtpu: 0.0.44.dev20260713+nightly
codegen_flags: <defaults>
</compile_context>

<pallas_src>
import functools

import jax
import jax.numpy as jnp
from jax import lax
from jax.experimental import pallas as pl
from jax.experimental.pallas import tpu as pltpu
from jax.experimental.pallas import tpu_sc as plsc

N = 10000
E = 320000
D = 128
H = 128

NC = 2
NS = 16
NW = NC * NS
EPW = E // NW
K = 80
CHUNKS = EPW // K
NP = 10240
RPT = NP // NS
DEGW = 16


def _sc_body(src_hbm, dst_hbm, h_hbm, zagg_hbm, zdeg_hbm,
             agg_out, deg_out,
             si0, si1, si2, si3, di0, di1, di2, di3, rows0, rows1,
             ones_v, agg_s, deg_s,
             isem0, isem1, isem2, isem3, gsem0, gsem1, ssem):
  cid = lax.axis_index("c")
  sid = lax.axis_index("s")
  wid = sid * NC + cid
  ebase = pl.multiple_of(wid * EPW, 8)
  rbase = pl.multiple_of(sid * RPT, 8)

  pltpu.sync_copy(zagg_hbm.at[pl.ds(rbase, RPT)], agg_s.at[pl.ds(rbase, RPT)])
  pltpu.sync_copy(zdeg_hbm.at[pl.ds(rbase, RPT)], deg_s.at[pl.ds(rbase, RPT)])
  for r in range(K):
    ones_v[r, :] = jnp.full((DEGW,), 1.0, jnp.float32)
  plsc.subcore_barrier()

  sis = (si0, si1, si2, si3)
  dis = (di0, di1, di2, di3)
  rows = (rows0, rows1)
  isems = (isem0, isem1, isem2, isem3)
  gsems = (gsem0, gsem1)

  def issue_idx(g, s):
    base = pl.multiple_of(ebase + g * K, 8)
    pltpu.async_copy(src_hbm.at[pl.ds(base, K)], sis[s], isems[s])
    pltpu.async_copy(dst_hbm.at[pl.ds(base, K)], dis[s], isems[s])

  def issue_gather(g, s, r):
    base = pl.multiple_of(ebase + g * K, 8)
    pltpu.make_async_copy(src_hbm.at[pl.ds(base, K)], sis[s], isems[s]).wait()
    pltpu.make_async_copy(dst_hbm.at[pl.ds(base, K)], dis[s], isems[s]).wait()
    pltpu.async_copy(h_hbm.at[sis[s]], rows[r], gsems[r])

  def finish(g, s, r):
    pltpu.make_async_copy(h_hbm.at[sis[s]], rows[r], gsems[r]).wait()
    pltpu.async_copy(rows[r], agg_s.at[dis[s]], ssem, add=True)
    pltpu.async_copy(ones_v, deg_s.at[dis[s]], ssem, add=True)
    pltpu.make_async_copy(rows[r], agg_s.at[dis[s]], ssem).wait()
    pltpu.make_async_copy(ones_v, deg_s.at[dis[s]], ssem).wait()

  issue_idx(0, 0)
  issue_idx(1, 1)
  issue_idx(2, 2)
  issue_idx(3, 3)
  issue_gather(0, 0, 0)

  @pl.loop(0, CHUNKS - 7, step=4)
  def _(i):
    issue_gather(i + 1, 1, 1)
    finish(i, 0, 0)
    issue_idx(i + 4, 0)
    issue_gather(i + 2, 2, 0)
    finish(i + 1, 1, 1)
    issue_idx(i + 5, 1)
    issue_gather(i + 3, 3, 1)
    finish(i + 2, 2, 0)
    issue_idx(i + 6, 2)
    issue_gather(i + 4, 0, 0)
    finish(i + 3, 3, 1)
    issue_idx(i + 7, 3)

  issue_gather(CHUNKS - 4, 1, 1)
  finish(CHUNKS - 5, 0, 0)
  issue_idx(CHUNKS - 1, 0)
  issue_gather(CHUNKS - 3, 2, 0)
  finish(CHUNKS - 4, 1, 1)
  issue_gather(CHUNKS - 2, 3, 1)
  finish(CHUNKS - 3, 2, 0)
  issue_gather(CHUNKS - 1, 0, 0)
  finish(CHUNKS - 2, 3, 1)
  finish(CHUNKS - 1, 0, 0)

  plsc.subcore_barrier()
  pltpu.sync_copy(agg_s.at[pl.ds(rbase, RPT)],
                  agg_out.at[cid, pl.ds(rbase, RPT)])
  pltpu.sync_copy(deg_s.at[pl.ds(rbase, RPT)],
                  deg_out.at[cid, pl.ds(rbase, RPT)])


@functools.lru_cache(maxsize=1)
def _sc_aggregate():
  return pl.kernel(
    _sc_body,
    out_type=[
        jax.ShapeDtypeStruct((NC, NP, D), jnp.float32),
        jax.ShapeDtypeStruct((NC, NP, DEGW), jnp.float32),
    ],
    mesh=plsc.VectorSubcoreMesh(
        core_axis_name="c", subcore_axis_name="s",
        num_cores=NC, num_subcores=NS),
    scratch_types=(
        [pltpu.VMEM((K,), jnp.int32)] * 8
        + [pltpu.VMEM((K, D), jnp.float32)] * 2
        + [
            pltpu.VMEM((K, DEGW), jnp.float32),
            pltpu.VMEM_SHARED((NP, D), jnp.float32),
            pltpu.VMEM_SHARED((NP, DEGW), jnp.float32),
        ]
        + [pltpu.SemaphoreType.DMA] * 7
    ),
    compiler_params=pltpu.CompilerParams(use_tc_tiling_on_sc=False),
  )


BN = 5000


def _tc_body(h_ref, agg_ref, deg_ref, w1h_ref, w1m_ref, b1_ref, w2_ref,
             b2_ref, out_ref):
  hh = h_ref[...]
  agg = agg_ref[0] + agg_ref[1]
  deg = (deg_ref[0] + deg_ref[1])[:, 0:1]
  mean = agg / jnp.maximum(deg, 1.0)
  mean = jnp.where(deg == 0.0, hh, mean)
  x = (lax.dot_general(hh, w1h_ref[...], (((1,), (1,)), ((), ())),
                       preferred_element_type=jnp.float32)
       + lax.dot_general(mean, w1m_ref[...], (((1,), (1,)), ((), ())),
                         preferred_element_type=jnp.float32)
       + b1_ref[...])
  x = 0.5 * x * (1.0 + lax.erf(x * (2.0 ** -0.5)))
  out_ref[...] = (lax.dot_general(x, w2_ref[...], (((1,), (1,)), ((), ())),
                                  preferred_element_type=jnp.float32)
                  + b2_ref[...])


def _tc_mlp(h, agg2, deg2, w1h, w1m, b1, w2, b2):
  return pl.pallas_call(
      _tc_body,
      grid=(N // BN,),
      in_specs=[
          pl.BlockSpec((BN, D), lambda i: (i, 0)),
          pl.BlockSpec((NC, BN, D), lambda i: (0, i, 0)),
          pl.BlockSpec((NC, BN, DEGW), lambda i: (0, i, 0)),
          pl.BlockSpec((H, D), lambda i: (0, 0)),
          pl.BlockSpec((H, D), lambda i: (0, 0)),
          pl.BlockSpec((1, H), lambda i: (0, 0)),
          pl.BlockSpec((D, H), lambda i: (0, 0)),
          pl.BlockSpec((1, D), lambda i: (0, 0)),
      ],
      out_specs=pl.BlockSpec((BN, D), lambda i: (i, 0)),
      out_shape=jax.ShapeDtypeStruct((N, D), jnp.float32),
      compiler_params=pltpu.CompilerParams(
          dimension_semantics=("parallel",)),
  )(h, agg2, deg2, w1h, w1m, b1, w2, b2)


@jax.jit
def kernel(h, edge_index, W1, b1, W2, b2):
  src = edge_index[0]
  dst = edge_index[1]
  zagg = jnp.zeros((NP, D), jnp.float32)
  zdeg = jnp.zeros((NP, DEGW), jnp.float32)
  agg2, deg2 = _sc_aggregate()(src, dst, h, zagg, zdeg)
  return _tc_mlp(h, agg2, deg2, W1[:, :D], W1[:, D:],
                 b1.reshape(1, H), W2, b2.reshape(1, D))

# --- scband reference (transcript-rebuilt; emitter-appended) ---
"""Pipeline reference for scband-mean-graph-layer-24584392802323 (READ-ONLY COPY).

The authoritative reference and input builder live on the scoring server;
editing this copy changes nothing except your own understanding.
"""

import jax, jax.numpy as jnp
import numpy as np

N = 10000
E = 320000
D = 128
H = 128


def setup_inputs(seed: int = 0) -> dict:
    key = jax.random.key(seed)
    k1, k2, k3, k4, k5, k6 = jax.random.split(key, 6)
    h = jax.random.normal(k1, (N, D), dtype=jnp.float32)
    edge_index = jax.random.randint(k2, (2, E), 0, N, dtype=jnp.int32)
    W1 = jax.random.normal(k3, (H, 2 * D), dtype=jnp.float32) * 0.02
    b1 = jnp.zeros((H,), dtype=jnp.float32)
    W2 = jax.random.normal(k4, (D, H), dtype=jnp.float32) * 0.02
    b2 = jnp.zeros((D,), dtype=jnp.float32)
    return {"h": h, "edge_index": edge_index, "W1": W1, "b1": b1, "W2": W2, "b2": b2}


def reference(h, edge_index, W1, b1, W2, b2):
    src = edge_index[0]
    dst = edge_index[1]
    # scatter-add of gathered neighbor features (mean aggregation)
    agg = jnp.zeros_like(h).at[dst].add(h[src])
    deg = jnp.zeros((h.shape[0],), dtype=h.dtype).at[dst].add(jnp.ones((dst.shape[0],), dtype=h.dtype))
    mean = agg / jnp.maximum(deg, 1.0)[:, None]
    # isolated nodes fall back to their own features
    mean = jnp.where((deg == 0.0)[:, None], h, mean)
    x = jnp.concatenate([h, mean], axis=-1)
    x = x @ W1.T + b1
    x = jax.nn.gelu(x, approximate=False)
    out = x @ W2.T + b2
    return out

if __name__ == "__main__":
    import jax
    _d = setup_inputs()
    print(jax.jit(kernel)(*tuple(_d.values())))

</pallas_src>

<mosaic_0001>
#map = affine_map<(d0, d1) -> (0)>
#map1 = affine_map<(d0, d1) -> (0, 0)>
#map2 = affine_map<(d0, d1) -> (0, 0, 0)>
module attributes {stable_mosaic.version = 14 : i64} {
  func.func @_sc_body(%arg0: i32, %arg1: i32, %arg2: memref<320000xi32, #tpu.memory_space<hbm>>, %arg3: memref<320000xi32, #tpu.memory_space<hbm>>, %arg4: memref<10000x128xf32, #tpu.memory_space<hbm>>, %arg5: memref<10240x128xf32, #tpu.memory_space<hbm>>, %arg6: memref<10240x16xf32, #tpu.memory_space<hbm>>, %arg7: memref<2x10240x128xf32, #tpu.memory_space<hbm>>, %arg8: memref<2x10240x16xf32, #tpu.memory_space<hbm>>, %arg9: memref<80xi32, #tpu.memory_space<vmem>>, %arg10: memref<80xi32, #tpu.memory_space<vmem>>, %arg11: memref<80xi32, #tpu.memory_space<vmem>>, %arg12: memref<80xi32, #tpu.memory_space<vmem>>, %arg13: memref<80xi32, #tpu.memory_space<vmem>>, %arg14: memref<80xi32, #tpu.memory_space<vmem>>, %arg15: memref<80xi32, #tpu.memory_space<vmem>>, %arg16: memref<80xi32, #tpu.memory_space<vmem>>, %arg17: memref<80x128xf32, #tpu.memory_space<vmem>>, %arg18: memref<80x128xf32, #tpu.memory_space<vmem>>, %arg19: memref<80x16xf32, #tpu.memory_space<vmem>>, %arg20: memref<10240x128xf32, #tpu.memory_space<vmem_shared>>, %arg21: memref<10240x16xf32, #tpu.memory_space<vmem_shared>>, %arg22: memref<!tpu.dma_semaphore, #tpu.memory_space<semaphore_mem>>, %arg23: memref<!tpu.dma_semaphore, #tpu.memory_space<semaphore_mem>>, %arg24: memref<!tpu.dma_semaphore, #tpu.memory_space<semaphore_mem>>, %arg25: memref<!tpu.dma_semaphore, #tpu.memory_space<semaphore_mem>>, %arg26: memref<!tpu.dma_semaphore, #tpu.memory_space<semaphore_mem>>, %arg27: memref<!tpu.dma_semaphore, #tpu.memory_space<semaphore_mem>>, %arg28: memref<!tpu.dma_semaphore, #tpu.memory_space<semaphore_mem>>) attributes {dimension_semantics = [#tpu.dimension_semantics<core_parallel>, #tpu.dimension_semantics<subcore_parallel>], iteration_bounds = array<i64: 2, 16>, scalar_prefetch = 0 : i64, scratch_operands = 20 : i64, tpu.core_type = #tpu.core_type<sc_vector_subcore>, window_params = [{transform_indices = #map}, {transform_indices = #map}, {transform_indices = #map1}, {transform_indices = #map1}, {transform_indices = #map1}, {transform_indices = #map2}, {transform_indices = #map2}]} {
    %mul3A = arith.constant 2 : i32
    %mul3A_0 = arith.muli %arg1, %mul3A : i32
    %add3A = arith.addi %mul3A_0, %arg0 : i32
    %mul3A_1 = arith.constant 10000 : i32
    %mul3A_2 = arith.muli %add3A, %mul3A_1 : i32
    %multiple_of3A = tpu.assume_multiple %mul3A_2, 8 : i32
    %mul3A_3 = arith.constant 640 : i32
    %mul3A_4 = arith.muli %arg1, %mul3A_3 : i32
    %multiple_of3A_5 = tpu.assume_multiple %mul3A_4, 8 : i32
    "tpu.region"() ({
      %run_scoped3A = tpu.sem_alloc : memref<!tpu.dma_semaphore, #tpu.memory_space<semaphore_mem>>
      %dma_start3A_807 = arith.constant 0 : i32
      %dma_start3A_808 = tpu.memref_slice %arg20[%multiple_of3A_5, %dma_start3A_807] : memref<10240x128xf32, #tpu.memory_space<vmem_shared>> -> memref<640x128xf32, #tpu.memory_space<vmem_shared>>
      %dma_start3A_809 = arith.constant 0 : i32
      %dma_start3A_810 = tpu.memref_slice %arg5[%multiple_of3A_5, %dma_start3A_809] : memref<10240x128xf32, #tpu.memory_space<hbm>> -> memref<640x128xf32, #tpu.memory_space<hbm>>
      tpu.enqueue_dma source(%dma_start3A_810 : memref<640x128xf32, #tpu.memory_space<hbm>>) target(%dma_start3A_808 : memref<640x128xf32, #tpu.memory_space<vmem_shared>>) target_semaphore(%run_scoped3A : memref<!tpu.dma_semaphore, #tpu.memory_space<semaphore_mem>>)
      %dma_wait3A_811 = arith.constant 0 : i32
      %dma_wait3A_812 = tpu.memref_slice %arg20[%multiple_of3A_5, %dma_wait3A_811] : memref<10240x128xf32, #tpu.memory_space<vmem_shared>> -> memref<640x128xf32, #tpu.memory_space<vmem_shared>>
      %dma_wait3A_813 = arith.constant 0 : i32
      %dma_wait3A_814 = tpu.memref_slice %arg5[%multiple_of3A_5, %dma_wait3A_813] : memref<10240x128xf32, #tpu.memory_space<hbm>> -> memref<640x128xf32, #tpu.memory_space<hbm>>
      tpu.wait_dma2 semaphore(%run_scoped3A : memref<!tpu.dma_semaphore, #tpu.memory_space<semaphore_mem>>) src(%dma_wait3A_814 : memref<640x128xf32, #tpu.memory_space<hbm>>) dst(%dma_wait3A_812 : memref<640x128xf32, #tpu.memory_space<vmem_shared>>)
      tpu.yield
    }) : () -> ()
    "tpu.region"() ({
      %run_scoped3A = tpu.sem_alloc : memref<!tpu.dma_semaphore, #tpu.memory_space<semaphore_mem>>
      %dma_start3A_807 = arith.constant 0 : i32
      %dma_start3A_808 = tpu.memref_slice %arg21[%multiple_of3A_5, %dma_start3A_807] : memref<10240x16xf32, #tpu.memory_space<vmem_shared>> -> memref<640x16xf32, #tpu.memory_space<vmem_shared>>
      %dma_start3A_809 = arith.constant 0 : i32
      %dma_start3A_810 = tpu.memref_slice %arg6[%multiple_of3A_5, %dma_start3A_809] : memref<10240x16xf32, #tpu.memory_space<hbm>> -> memref<640x16xf32, #tpu.memory_space<hbm>>
      tpu.enqueue_dma source(%dma_start3A_810 : memref<640x16xf32, #tpu.memory_space<hbm>>) target(%dma_start3A_808 : memref<640x16xf32, #tpu.memory_space<vmem_shared>>) target_semaphore(%run_scoped3A : memref<!tpu.dma_semaphore, #tpu.memory_space<semaphore_mem>>)
      %dma_wait3A_811 = arith.constant 0 : i32
      %dma_wait3A_812 = tpu.memref_slice %arg21[%multiple_of3A_5, %dma_wait3A_811] : memref<10240x16xf32, #tpu.memory_space<vmem_shared>> -> memref<640x16xf32, #tpu.memory_space<vmem_shared>>
      %dma_wait3A_813 = arith.constant 0 : i32
      %dma_wait3A_814 = tpu.memref_slice %arg6[%multiple_of3A_5, %dma_wait3A_813] : memref<10240x16xf32, #tpu.memory_space<hbm>> -> memref<640x16xf32, #tpu.memory_space<hbm>>
      tpu.wait_dma2 semaphore(%run_scoped3A : memref<!tpu.dma_semaphore, #tpu.memory_space<semaphore_mem>>) src(%dma_wait3A_814 : memref<640x16xf32, #tpu.memory_space<hbm>>) dst(%dma_wait3A_812 : memref<640x16xf32, #tpu.memory_space<vmem_shared>>)
      tpu.yield
    }) : () -> ()
    %broadcast_in_dim3A = arith.constant 1.000000e+00 : f32
    %broadcast_in_dim3A_6 = vector.broadcast %broadcast_in_dim3A : f32 to vector<16xf32>
    %swap3A = arith.constant 0 : i32
    %swap3A_7 = arith.index_cast %swap3A : i32 to index
    %swap3A_8 = arith.constant 0 : index
    %swap3A_9 = tpu.vector_load %arg19[%swap3A_7, %swap3A_8] {strides = array<i32>} : memref<80x16xf32, #tpu.memory_space<vmem>>, vector<1x16xf32>,
    %swap3A_10 = vector.shape_cast %swap3A_9 : vector<1x16xf32> to vector<16xf32>
    %swap3A_11 = vector.shape_cast %broadcast_in_dim3A_6 : vector<16xf32> to vector<1x16xf32>
    tpu.vector_store %arg19[%swap3A_7, %swap3A_8], %swap3A_11 {strides = array<i32>} : memref<80x16xf32, #tpu.memory_space<vmem>>, vector<1x16xf32>,
    %broadcast_in_dim3A_12 = arith.constant 1.000000e+00 : f32
    %broadcast_in_dim3A_13 = vector.broadcast %broadcast_in_dim3A_12 : f32 to vector<16xf32>
    %swap3A_14 = arith.constant 1 : i32
    %swap3A_15 = arith.index_cast %swap3A_14 : i32 to index
    %swap3A_16 = arith.constant 0 : index
    %swap3A_17 = tpu.vector_load %arg19[%swap3A_15, %swap3A_16] {strides = array<i32>} : memref<80x16xf32, #tpu.memory_space<vmem>>, vector<1x16xf32>,
    %swap3A_18 = vector.shape_cast %swap3A_17 : vector<1x16xf32> to vector<16xf32>
    %swap3A_19 = vector.shape_cast %broadcast_in_dim3A_13 : vector<16xf32> to vector<1x16xf32>
    tpu.vector_store %arg19[%swap3A_15, %swap3A_16], %swap3A_19 {strides = array<i32>} : memref<80x16xf32, #tpu.memory_space<vmem>>, vector<1x16xf32>,
    %broadcast_in_dim3A_20 = arith.constant 1.000000e+00 : f32
    %broadcast_in_dim3A_21 = vector.broadcast %broadcast_in_dim3A_20 : f32 to vector<16xf32>
    %swap3A_22 = arith.constant 2 : i32
    %swap3A_23 = arith.index_cast %swap3A_22 : i32 to index
    %swap3A_24 = arith.constant 0 : index
    %swap3A_25 = tpu.vector_load %arg19[%swap3A_23, %swap3A_24] {strides = array<i32>} : memref<80x16xf32, #tpu.memory_space<vmem>>, vector<1x16xf32>,
    %swap3A_26 = vector.shape_cast %swap3A_25 : vector<1x16xf32> to vector<16xf32>
    %swap3A_27 = vector.shape_cast %broadcast_in_dim3A_21 : vector<16xf32> to vector<1x16xf32>
    tpu.vector_store %arg19[%swap3A_23, %swap3A_24], %swap3A_27 {strides = array<i32>} : memref<80x16xf32, #tpu.memory_space<vmem>>, vector<1x16xf32>,
    %broadcast_in_dim3A_28 = arith.constant 1.000000e+00 : f32
    %broadcast_in_dim3A_29 = vector.broadcast %broadcast_in_dim3A_28 : f32 to vector<16xf32>
    %swap3A_30 = arith.constant 3 : i32
    %swap3A_31 = arith.index_cast %swap3A_30 : i32 to index
    %swap3A_32 = arith.constant 0 : index
    %swap3A_33 = tpu.vector_load %arg19[%swap3A_31, %swap3A_32] {strides = array<i32>} : memref<80x16xf32, #tpu.memory_space<vmem>>, vector<1x16xf32>,
    %swap3A_34 = vector.shape_cast %swap3A_33 : vector<1x16xf32> to vector<16xf32>
    %swap3A_35 = vector.shape_cast %broadcast_in_dim3A_29 : vector<16xf32> to vector<1x16xf32>
    tpu.vector_store %arg19[%swap3A_31, %swap3A_32], %swap3A_35 {strides = array<i32>} : memref<80x16xf32, #tpu.memory_space<vmem>>, vector<1x16xf32>,
    %broadcast_in_dim3A_36 = arith.constant 1.000000e+00 : f32
    %broadcast_in_dim3A_37 = vector.broadcast %broadcast_in_dim3A_36 : f32 to vector<16xf32>
    %swap3A_38 = arith.constant 4 : i32
    %swap3A_39 = arith.index_cast %swap3A_38 : i32 to index
    %swap3A_40 = arith.constant 0 : index
    %swap3A_41 = tpu.vector_load %arg19[%swap3A_39, %swap3A_40] {strides = array<i32>} : memref<80x16xf32, #tpu.memory_space<vmem>>, vector<1x16xf32>,
    %swap3A_42 = vector.shape_cast %swap3A_41 : vector<1x16xf32> to vector<16xf32>
    %swap3A_43 = vector.shape_cast %broadcast_in_dim3A_37 : vector<16xf32> to vector<1x16xf32>
    tpu.vector_store %arg19[%swap3A_39, %swap3A_40], %swap3A_43 {strides = array<i32>} : memref<80x16xf32, #tpu.memory_space<vmem>>, vector<1x16xf32>,
    %broadcast_in_dim3A_44 = arith.constant 1.000000e+00 : f32
    %broadcast_in_dim3A_45 = vector.broadcast %broadcast_in_dim3A_44 : f32 to vector<16xf32>
    %swap3A_46 = arith.constant 5 : i32
    %swap3A_47 = arith.index_cast %swap3A_46 : i32 to index
    %swap3A_48 = arith.constant 0 : index
    %swap3A_49 = tpu.vector_load %arg19[%swap3A_47, %swap3A_48] {strides = array<i32>} : memref<80x16xf32, #tpu.memory_space<vmem>>, vector<1x16xf32>,
    %swap3A_50 = vector.shape_cast %swap3A_49 : vector<1x16xf32> to vector<16xf32>
    %swap3A_51 = vector.shape_cast %broadcast_in_dim3A_45 : vector<16xf32> to vector<1x16xf32>
    tpu.vector_store %arg19[%swap3A_47, %swap3A_48], %swap3A_51 {strides = array<i32>} : memref<80x16xf32, #tpu.memory_space<vmem>>, vector<1x16xf32>,
    %broadcast_in_dim3A_52 = arith.constant 1.000000e+00 : f32
    %broadcast_in_dim3A_53 = vector.broadcast %broadcast_in_dim3A_52 : f32 to vector<16xf32>
    %swap3A_54 = arith.constant 6 : i32
    %swap3A_55 = arith.index_cast %swap3A_54 : i32 to index
    %swap3A_56 = arith.constant 0 : index
    %swap3A_57 = tpu.vector_load %arg19[%swap3A_55, %swap3A_56] {strides = array<i32>} : memref<80x16xf32, #tpu.memory_space<vmem>>, vector<1x16xf32>,
    %swap3A_58 = vector.shape_cast %swap3A_57 : vector<1x16xf32> to vector<16xf32>
    %swap3A_59 = vector.shape_cast %broadcast_in_dim3A_53 : vector<16xf32> to vector<1x16xf32>
    tpu.vector_store %arg19[%swap3A_55, %swap3A_56], %swap3A_59 {strides = array<i32>} : memref<80x16xf32, #tpu.memory_space<vmem>>, vector<1x16xf32>,
    %broadcast_in_dim3A_60 = arith.constant 1.000000e+00 : f32
    %broadcast_in_dim3A_61 = vector.broadcast %broadcast_in_dim3A_60 : f32 to vector<16xf32>
    %swap3A_62 = arith.constant 7 : i32
    %swap3A_63 = arith.index_cast %swap3A_62 : i32 to index
    %swap3A_64 = arith.constant 0 : index
    %swap3A_65 = tpu.vector_load %arg19[%swap3A_63, %swap3A_64] {strides = array<i32>} : memref<80x16xf32, #tpu.memory_space<vmem>>, vector<1x16xf32>,
    %swap3A_66 = vector.shape_cast %swap3A_65 : vector<1x16xf32> to vector<16xf32>
    %swap3A_67 = vector.shape_cast %broadcast_in_dim3A_61 : vector<16xf32> to vector<1x16xf32>
    tpu.vector_store %arg19[%swap3A_63, %swap3A_64], %swap3A_67 {strides = array<i32>} : memref<80x16xf32, #tpu.memory_space<vmem>>, vector<1x16xf32>,
    %broadcast_in_dim3A_68 = arith.constant 1.000000e+00 : f32
    %broadcast_in_dim3A_69 = vector.broadcast %broadcast_in_dim3A_68 : f32 to vector<16xf32>
    %swap3A_70 = arith.constant 8 : i32
    %swap3A_71 = arith.index_cast %swap3A_70 : i32 to index
    %swap3A_72 = arith.constant 0 : index
    %swap3A_73 = tpu.vector_load %arg19[%swap3A_71, %swap3A_72] {strides = array<i32>} : memref<80x16xf32, #tpu.memory_space<vmem>>, vector<1x16xf32>,
    %swap3A_74 = vector.shape_cast %swap3A_73 : vector<1x16xf32> to vector<16xf32>
    %swap3A_75 = vector.shape_cast %broadcast_in_dim3A_69 : vector<16xf32> to vector<1x16xf32>
    tpu.vector_store %arg19[%swap3A_71, %swap3A_72], %swap3A_75 {strides = array<i32>} : memref<80x16xf32, #tpu.memory_space<vmem>>, vector<1x16xf32>,
    %broadcast_in_dim3A_76 = arith.constant 1.000000e+00 : f32
    %broadcast_in_dim3A_77 = vector.broadcast %broadcast_in_dim3A_76 : f32 to vector<16xf32>
    %swap3A_78 = arith.constant 9 : i32
    %swap3A_79 = arith.index_cast %swap3A_78 : i32 to index
    %swap3A_80 = arith.constant 0 : index
    %swap3A_81 = tpu.vector_load %arg19[%swap3A_79, %swap3A_80] {strides = array<i32>} : memref<80x16xf32, #tpu.memory_space<vmem>>, vector<1x16xf32>,
    %swap3A_82 = vector.shape_cast %swap3A_81 : vector<1x16xf32> to vector<16xf32>
    %swap3A_83 = vector.shape_cast %broadcast_in_dim3A_77 : vector<16xf32> to vector<1x16xf32>
    tpu.vector_store %arg19[%swap3A_79, %swap3A_80], %swap3A_83 {strides = array<i32>} : memref<80x16xf32, #tpu.memory_space<vmem>>, vector<1x16xf32>,
    %broadcast_in_dim3A_84 = arith.constant 1.000000e+00 : f32
    %broadcast_in_dim3A_85 = vector.broadcast %broadcast_in_dim3A_84 : f32 to vector<16xf32>
    %swap3A_86 = arith.constant 10 : i32
    %swap3A_87 = arith.index_cast %swap3A_86 : i32 to index
    %swap3A_88 = arith.constant 0 : index
    %swap3A_89 = tpu.vector_load %arg19[%swap3A_87, %swap3A_88] {strides = array<i32>} : memref<80x16xf32, #tpu.memory_space<vmem>>, vector<1x16xf32>,
    %swap3A_90 = vector.shape_cast %swap3A_89 : vector<1x16xf32> to vector<16xf32>
    %swap3A_91 = vector.shape_cast %broadcast_in_dim3A_85 : vector<16xf32> to vector<1x16xf32>
    tpu.vector_store %arg19[%swap3A_87, %swap3A_88], %swap3A_91 {strides = array<i32>} : memref<80x16xf32, #tpu.memory_space<vmem>>, vector<1x16xf32>,
    %broadcast_in_dim3A_92 = arith.constant 1.000000e+00 : f32
    %broadcast_in_dim3A_93 = vector.broadcast %broadcast_in_dim3A_92 : f32 to vector<16xf32>
    %swap3A_94 = arith.constant 11 : i32
    %swap3A_95 = arith.index_cast %swap3A_94 : i32 to index
    %swap3A_96 = arith.constant 0 : index
    %swap3A_97 = tpu.vector_load %arg19[%swap3A_95, %swap3A_96] {strides = array<i32>} : memref<80x16xf32, #tpu.memory_space<vmem>>, vector<1x16xf32>,
    %swap3A_98 = vector.shape_cast %swap3A_97 : vector<1x16xf32> to vector<16xf32>
    %swap3A_99 = vector.shape_cast %broadcast_in_dim3A_93 : vector<16xf32> to vector<1x16xf32>
    tpu.vector_store %arg19[%swap3A_95, %swap3A_96], %swap3A_99 {strides = array<i32>} : memref<80x16xf32, #tpu.memory_space<vmem>>, vector<1x16xf32>,
    %broadcast_in_dim3A_100 = arith.constant 1.000000e+00 : f32
    %broadcast_in_dim3A_101 = vector.broadcast %broadcast_in_dim3A_100 : f32 to vector<16xf32>
    %swap3A_102 = arith.constant 12 : i32
    %swap3A_103 = arith.index_cast %swap3A_102 : i32 to index
    %swap3A_104 = arith.constant 0 : index
    %swap3A_105 = tpu.vector_load %arg19[%swap3A_103, %swap3A_104] {strides = array<i32>} : memref<80x16xf32, #tpu.memory_space<vmem>>, vector<1x16xf32>,
    %swap3A_106 = vector.shape_cast %swap3A_105 : vector<1x16xf32> to vector<16xf32>
    %swap3A_107 = vector.shape_cast %broadcast_in_dim3A_101 : vector<16xf32> to vector<1x16xf32>
    tpu.vector_store %arg19[%swap3A_103, %swap3A_104], %swap3A_107 {strides = array<i32>} : memref<80x16xf32, #tpu.memory_space<vmem>>, vector<1x16xf32>,
    %broadcast_in_dim3A_108 = arith.constant 1.000000e+00 : f32
    %broadcast_in_dim3A_109 = vector.broadcast %broadcast_in_dim3A_108 : f32 to vector<16xf32>
    %swap3A_110 = arith.constant 13 : i32
    %swap3A_111 = arith.index_cast %swap3A_110 : i32 to index
    %swap3A_112 = arith.constant 0 : index
    %swap3A_113 = tpu.vector_load %arg19[%swap3A_111, %swap3A_112] {strides = array<i32>} : memref<80x16xf32, #tpu.memory_space<vmem>>, vector<1x16xf32>,
    %swap3A_114 = vector.shape_cast %swap3A_113 : vector<1x16xf32> to vector<16xf32>
    %swap3A_115 = vector.shape_cast %broadcast_in_dim3A_109 : vector<16xf32> to vector<1x16xf32>
    tpu.vector_store %arg19[%swap3A_111, %swap3A_112], %swap3A_115 {strides = array<i32>} : memref<80x16xf32, #tpu.memory_space<vmem>>, vector<1x16xf32>,
    %broadcast_in_dim3A_116 = arith.constant 1.000000e+00 : f32
    %broadcast_in_dim3A_117 = vector.broadcast %broadcast_in_dim3A_116 : f32 to vector<16xf32>
    %swap3A_118 = arith.constant 14 : i32
    %swap3A_119 = arith.index_cast %swap3A_118 : i32 to index
    %swap3A_120 = arith.constant 0 : index
    %swap3A_121 = tpu.vector_load %arg19[%swap3A_119, %swap3A_120] {strides = array<i32>} : memref<80x16xf32, #tpu.memory_space<vmem>>, vector<1x16xf32>,
    %swap3A_122 = vector.shape_cast %swap3A_121 : vector<1x16xf32> to vector<16xf32>
    %swap3A_123 = vector.shape_cast %broadcast_in_dim3A_117 : vector<16xf32> to vector<1x16xf32>
    tpu.vector_store %arg19[%swap3A_119, %swap3A_120], %swap3A_123 {strides = array<i32>} : memref<80x16xf32, #tpu.memory_space<vmem>>, vector<1x16xf32>,
    %broadcast_in_dim3A_124 = arith.constant 1.000000e+00 : f32
    %broadcast_in_dim3A_125 = vector.broadcast %broadcast_in_dim3A_124 : f32 to vector<16xf32>
    %swap3A_126 = arith.constant 15 : i32
    %swap3A_127 = arith.index_cast %swap3A_126 : i32 to index
    %swap3A_128 = arith.constant 0 : index
    %swap3A_129 = tpu.vector_load %arg19[%swap3A_127, %swap3A_128] {strides = array<i32>} : memref<80x16xf32, #tpu.memory_space<vmem>>, vector<1x16xf32>,
    %swap3A_130 = vector.shape_cast %swap3A_129 : vector<1x16xf32> to vector<16xf32>
    %swap3A_131 = vector.shape_cast %broadcast_in_dim3A_125 : vector<16xf32> to vector<1x16xf32>
    tpu.vector_store %arg19[%swap3A_127, %swap3A_128], %swap3A_131 {strides = array<i32>} : memref<80x16xf32, #tpu.memory_space<vmem>>, vector<1x16xf32>,
    %broadcast_in_dim3A_132 = arith.constant 1.000000e+00 : f32
    %broadcast_in_dim3A_133 = vector.broadcast %broadcast_in_dim3A_132 : f32 to vector<16xf32>
    %swap3A_134 = arith.constant 16 : i32
    %swap3A_135 = arith.index_cast %swap3A_134 : i32 to index
    %swap3A_136 = arith.constant 0 : index
    %swap3A_137 = tpu.vector_load %arg19[%swap3A_135, %swap3A_136] {strides = array<i32>} : memref<80x16xf32, #tpu.memory_space<vmem>>, vector<1x16xf32>,
    %swap3A_138 = vector.shape_cast %swap3A_137 : vector<1x16xf32> to vector<16xf32>
    %swap3A_139 = vector.shape_cast %broadcast_in_dim3A_133 : vector<16xf32> to vector<1x16xf32>
    tpu.vector_store %arg19[%swap3A_135, %swap3A_136], %swap3A_139 {strides = array<i32>} : memref<80x16xf32, #tpu.memory_space<vmem>>, vector<1x16xf32>,
    %broadcast_in_dim3A_140 = arith.constant 1.000000e+00 : f32
    %broadcast_in_dim3A_141 = vector.broadcast %broadcast_in_dim3A_140 : f32 to vector<16xf32>
    %swap3A_142 = arith.constant 17 : i32
    %swap3A_143 = arith.index_cast %swap3A_142 : i32 to index
    %swap3A_144 = arith.constant 0 : index
    %swap3A_145 = tpu.vector_load %arg19[%swap3A_143, %swap3A_144] {strides = array<i32>} : memref<80x16xf32, #tpu.memory_space<vmem>>, vector<1x16xf32>,
    %swap3A_146 = vector.shape_cast %swap3A_145 : vector<1x16xf32> to vector<16xf32>
    %swap3A_147 = vector.shape_cast %broadcast_in_dim3A_141 : vector<16xf32> to vector<1x16xf32>
    tpu.vector_store %arg19[%swap3A_143, %swap3A_144], %swap3A_147 {strides = array<i32>} : memref<80x16xf32, #tpu.memory_space<vmem>>, vector<1x16xf32>,
    %broadcast_in_dim3A_148 = arith.constant 1.000000e+00 : f32
    %broadcast_in_dim3A_149 = vector.broadcast %broadcast_in_dim3A_148 : f32 to vector<16xf32>
    %swap3A_150 = arith.constant 18 : i32
    %swap3A_151 = arith.index_cast %swap3A_150 : i32 to index
    %swap3A_152 = arith.constant 0 : index
    %swap3A_153 = tpu.vector_load %arg19[%swap3A_151, %swap3A_152] {strides = array<i32>} : memref<80x16xf32, #tpu.memory_space<vmem>>, vector<1x16xf32>,
    %swap3A_154 = vector.shape_cast %swap3A_153 : vector<1x16xf32> to vector<16xf32>
    %swap3A_155 = vector.shape_cast %broadcast_in_dim3A_149 : vector<16xf32> to vector<1x16xf32>
    tpu.vector_store %arg19[%swap3A_151, %swap3A_152], %swap3A_155 {strides = array<i32>} : memref<80x16xf32, #tpu.memory_space<vmem>>, vector<1x16xf32>,
    %broadcast_in_dim3A_156 = arith.constant 1.000000e+00 : f32
    %broadcast_in_dim3A_157 = vector.broadcast %broadcast_in_dim3A_156 : f32 to vector<16xf32>
    %swap3A_158 = arith.constant 19 : i32
    %swap3A_159 = arith.index_cast %swap3A_158 : i32 to index
    %swap3A_160 = arith.constant 0 : index
    %swap3A_161 = tpu.vector_load %arg19[%swap3A_159, %swap3A_160] {strides = array<i32>} : memref<80x16xf32, #tpu.memory_space<vmem>>, vector<1x16xf32>,
    %swap3A_162 = vector.shape_cast %swap3A_161 : vector<1x16xf32> to vector<16xf32>
    %swap3A_163 = vector.shape_cast %broadcast_in_dim3A_157 : vector<16xf32> to vector<1x16xf32>
    tpu.vector_store %arg19[%swap3A_159, %swap3A_160], %swap3A_163 {strides = array<i32>} : memref<80x16xf32, #tpu.memory_space<vmem>>, vector<1x16xf32>,
    %broadcast_in_dim3A_164 = arith.constant 1.000000e+00 : f32
    %broadcast_in_dim3A_165 = vector.broadcast %broadcast_in_dim3A_164 : f32 to vector<16xf32>
    %swap3A_166 = arith.constant 20 : i32
    %swap3A_167 = arith.index_cast %swap3A_166 : i32 to index
    %swap3A_168 = arith.constant 0 : index
    %swap3A_169 = tpu.vector_load %arg19[%swap3A_167, %swap3A_168] {strides = array<i32>} : memref<80x16xf32, #tpu.memory_space<vmem>>, vector<1x16xf32>,
    %swap3A_170 = vector.shape_cast %swap3A_169 : vector<1x16xf32> to vector<16xf32>
    %swap3A_171 = vector.shape_cast %broadcast_in_dim3A_165 : vector<16xf32> to vector<1x16xf32>
    tpu.vector_store %arg19[%swap3A_167, %swap3A_168], %swap3A_171 {strides = array<i32>} : memref<80x16xf32, #tpu.memory_space<vmem>>, vector<1x16xf32>,
    %broadcast_in_dim3A_172 = arith.constant 1.000000e+00 : f32
    %broadcast_in_dim3A_173 = vector.broadcast %broadcast_in_dim3A_172 : f32 to vector<16xf32>
    %swap3A_174 = arith.constant 21 : i32
    %swap3A_175 = arith.index_cast %swap3A_174 : i32 to index
    %swap3A_176 = arith.constant 0 : index
    %swap3A_177 = tpu.vector_load %arg19[%swap3A_175, %swap3A_176] {strides = array<i32>} : memref<80x16xf32, #tpu.memory_space<vmem>>, vector<1x16xf32>,
    %swap3A_178 = vector.shape_cast %swap3A_177 : vector<1x16xf32> to vector<16xf32>
    %swap3A_179 = vector.shape_cast %broadcast_in_dim3A_173 : vector<16xf32> to vector<1x16xf32>
    tpu.vector_store %arg19[%swap3A_175, %swap3A_176], %swap3A_179 {strides = array<i32>} : memref<80x16xf32, #tpu.memory_space<vmem>>, vector<1x16xf32>,
    %broadcast_in_dim3A_180 = arith.constant 1.000000e+00 : f32
    %broadcast_in_dim3A_181 = vector.broadcast %broadcast_in_dim3A_180 : f32 to vector<16xf32>
    %swap3A_182 = arith.constant 22 : i32
    %swap3A_183 = arith.index_cast %swap3A_182 : i32 to index
    %swap3A_184 = arith.constant 0 : index
    %swap3A_185 = tpu.vector_load %arg19[%swap3A_183, %swap3A_184] {strides = array<i32>} : memref<80x16xf32, #tpu.memory_space<vmem>>, vector<1x16xf32>,
    %swap3A_186 = vector.shape_cast %swap3A_185 : vector<1x16xf32> to vector<16xf32>
    %swap3A_187 = vector.shape_cast %broadcast_in_dim3A_181 : vector<16xf32> to vector<1x16xf32>
    tpu.vector_store %arg19[%swap3A_183, %swap3A_184], %swap3A_187 {strides = array<i32>} : memref<80x16xf32, #tpu.memory_space<vmem>>, vector<1x16xf32>,
    %broadcast_in_dim3A_188 = arith.constant 1.000000e+00 : f32
    %broadcast_in_dim3A_189 = vector.broadcast %broadcast_in_dim3A_188 : f32 to vector<16xf32>
    %swap3A_190 = arith.constant 23 : i32
    %swap3A_191 = arith.index_cast %swap3A_190 : i32 to index
    %swap3A_192 = arith.constant 0 : index
    %swap3A_193 = tpu.vector_load %arg19[%swap3A_191, %swap3A_192] {strides = array<i32>} : memref<80x16xf32, #tpu.memory_space<vmem>>, vector<1x16xf32>,
    %swap3A_194 = vector.shape_cast %swap3A_193 : vector<1x16xf32> to vector<16xf32>
    %swap3A_195 = vector.shape_cast %broadcast_in_dim3A_189 : vector<16xf32> to vector<1x16xf32>
    tpu.vector_store %arg19[%swap3A_191, %swap3A_192], %swap3A_195 {strides = array<i32>} : memref<80x16xf32, #tpu.memory_space<vmem>>, vector<1x16xf32>,
    %broadcast_in_dim3A_196 = arith.constant 1.000000e+00 : f32
    %broadcast_in_dim3A_197 = vector.broadcast %broadcast_in_dim3A_196 : f32 to vector<16xf32>
    %swap3A_198 = arith.constant 24 : i32
    %swap3A_199 = arith.index_cast %swap3A_198 : i32 to index
    %swap3A_200 = arith.constant 0 : index
    %swap3A_201 = tpu.vector_load %arg19[%swap3A_199, %swap3A_200] {strides = array<i32>} : memref<80x16xf32, #tpu.memory_space<vmem>>, vector<1x16xf32>,
    %swap3A_202 = vector.shape_cast %swap3A_201 : vector<1x16xf32> to vector<16xf32>
    %swap3A_203 = vector.shape_cast %broadcast_in_dim3A_197 : vector<16xf32> to vector<1x16xf32>
    tpu.vector_store %arg19[%swap3A_199, %swap3A_200], %swap3A_203 {strides = array<i32>} : memref<80x16xf32, #tpu.memory_space<vmem>>, vector<1x16xf32>,
    %broadcast_in_dim3A_204 = arith.constant 1.000000e+00 : f32
    %broadcast_in_dim3A_205 = vector.broadcast %broadcast_in_dim3A_204 : f32 to vector<16xf32>
    %swap3A_206 = arith.constant 25 : i32
    %swap3A_207 = arith.index_cast %swap3A_206 : i32 to index
    %swap3A_208 = arith.constant 0 : index
    %swap3A_209 = tpu.vector_load %arg19[%swap3A_207, %swap3A_208] {strides = array<i32>} : memref<80x16xf32, #tpu.memory_space<vmem>>, vector<1x16xf32>,
    %swap3A_210 = vector.shape_cast %swap3A_209 : vector<1x16xf32> to vector<16xf32>
    %swap3A_211 = vector.shape_cast %broadcast_in_dim3A_205 : vector<16xf32> to vector<1x16xf32>
    tpu.vector_store %arg19[%swap3A_207, %swap3A_208], %swap3A_211 {strides = array<i32>} : memref<80x16xf32, #tpu.memory_space<vmem>>, vector<1x16xf32>,
    %broadcast_in_dim3A_212 = arith.constant 1.000000e+00 : f32
    %broadcast_in_dim3A_213 = vector.broadcast %broadcast_in_dim3A_212 : f32 to vector<16xf32>
    %swap3A_214 = arith.constant 26 : i32
    %swap3A_215 = arith.index_cast %swap3A_214 : i32 to index
    %swap3A_216 = arith.constant 0 : index
    %swap3A_217 = tpu.vector_load %arg19[%swap3A_215, %swap3A_216] {strides = array<i32>} : memref<80x16xf32, #tpu.memory_space<vmem>>, vector<1x16xf32>,
    %swap3A_218 = vector.shape_cast %swap3A_217 : vector<1x16xf32> to vector<16xf32>
    %swap3A_219 = vector.shape_cast %broadcast_in_dim3A_213 : vector<16xf32> to vector<1x16xf32>
    tpu.vector_store %arg19[%swap3A_215, %swap3A_216], %swap3A_219 {strides = array<i32>} : memref<80x16xf32, #tpu.memory_space<vmem>>, vector<1x16xf32>,
    %broadcast_in_dim3A_220 = arith.constant 1.000000e+00 : f32
    %broadcast_in_dim3A_221 = vector.broadcast %broadcast_in_dim3A_220 : f32 to vector<16xf32>
    %swap3A_222 = arith.constant 27 : i32
    %swap3A_223 = arith.index_cast %swap3A_222 : i32 to index
    %swap3A_224 = arith.constant 0 : index
    %swap3A_225 = tpu.vector_load %arg19[%swap3A_223, %swap3A_224] {strides = array<i32>} : memref<80x16xf32, #tpu.memory_space<vmem>>, vector<1x16xf32>,
    %swap3A_226 = vector.shape_cast %swap3A_225 : vector<1x16xf32> to vector<16xf32>
    %swap3A_227 = vector.shape_cast %broadcast_in_dim3A_221 : vector<16xf32> to vector<1x16xf32>
    tpu.vector_store %arg19[%swap3A_223, %swap3A_224], %swap3A_227 {strides = array<i32>} : memref<80x16xf32, #tpu.memory_space<vmem>>, vector<1x16xf32>,
    %broadcast_in_dim3A_228 = arith.constant 1.000000e+00 : f32
    %broadcast_in_dim3A_229 = vector.broadcast %broadcast_in_dim3A_228 : f32 to vector<16xf32>
    %swap3A_230 = arith.constant 28 : i32
    %swap3A_231 = arith.index_cast %swap3A_230 : i32 to index
    %swap3A_232 = arith.constant 0 : index
    %swap3A_233 = tpu.vector_load %arg19[%swap3A_231, %swap3A_232] {strides = array<i32>} : memref<80x16xf32, #tpu.memory_space<vmem>>, vector<1x16xf32>,
    %swap3A_234 = vector.shape_cast %swap3A_233 : vector<1x16xf32> to vector<16xf32>
    %swap3A_235 = vector.shape_cast %broadcast_in_dim3A_229 : vector<16xf32> to vector<1x16xf32>
    tpu.vector_store %arg19[%swap3A_231, %swap3A_232], %swap3A_235 {strides = array<i32>} : memref<80x16xf32, #tpu.memory_space<vmem>>, vector<1x16xf32>,
    %broadcast_in_dim3A_236 = arith.constant 1.000000e+00 : f32
    %broadcast_in_dim3A_237 = vector.broadcast %broadcast_in_dim3A_236 : f32 to vector<16xf32>
    %swap3A_238 = arith.constant 29 : i32
    %swap3A_239 = arith.index_cast %swap3A_238 : i32 to index
    %swap3A_240 = arith.constant 0 : index
    %swap3A_241 = tpu.vector_load %arg19[%swap3A_239, %swap3A_240] {strides = array<i32>} : memref<80x16xf32, #tpu.memory_space<vmem>>, vector<1x16xf32>,
    %swap3A_242 = vector.shape_cast %swap3A_241 : vector<1x16xf32> to vector<16xf32>
    %swap3A_243 = vector.shape_cast %broadcast_in_dim3A_237 : vector<16xf32> to vector<1x16xf32>
    tpu.vector_store %arg19[%swap3A_239, %swap3A_240], %swap3A_243 {strides = array<i32>} : memref<80x16xf32, #tpu.memory_space<vmem>>, vector<1x16xf32>,
    %broadcast_in_dim3A_244 = arith.constant 1.000000e+00 : f32
    %broadcast_in_dim3A_245 = vector.broadcast %broadcast_in_dim3A_244 : f32 to vector<16xf32>
    %swap3A_246 = arith.constant 30 : i32
    %swap3A_247 = arith.index_cast %swap3A_246 : i32 to index
    %swap3A_248 = arith.constant 0 : index
    %swap3A_249 = tpu.vector_load %arg19[%swap3A_247, %swap3A_248] {strides = array<i32>} : memref<80x16xf32, #tpu.memory_space<vmem>>, vector<1x16xf32>,
    %swap3A_250 = vector.shape_cast %swap3A_249 : vector<1x16xf32> to vector<16xf32>
    %swap3A_251 = vector.shape_cast %broadcast_in_dim3A_245 : vector<16xf32> to vector<1x16xf32>
    tpu.vector_store %arg19[%swap3A_247, %swap3A_248], %swap3A_251 {strides = array<i32>} : memref<80x16xf32, #tpu.memory_space<vmem>>, vector<1x16xf32>,
    %broadcast_in_dim3A_252 = arith.constant 1.000000e+00 : f32
    %broadcast_in_dim3A_253 = vector.broadcast %broadcast_in_dim3A_252 : f32 to vector<16xf32>
    %swap3A_254 = arith.constant 31 : i32
    %swap3A_255 = arith.index_cast %swap3A_254 : i32 to index
    %swap3A_256 = arith.constant 0 : index
    %swap3A_257 = tpu.vector_load %arg19[%swap3A_255, %swap3A_256] {strides = array<i32>} : memref<80x16xf32, #tpu.memory_space<vmem>>, vector<1x16xf32>,
    %swap3A_258 = vector.shape_cast %swap3A_257 : vector<1x16xf32> to vector<16xf32>
    %swap3A_259 = vector.shape_cast %broadcast_in_dim3A_253 : vector<16xf32> to vector<1x16xf32>
    tpu.vector_store %arg19[%swap3A_255, %swap3A_256], %swap3A_259 {strides = array<i32>} : memref<80x16xf32, #tpu.memory_space<vmem>>, vector<1x16xf32>,
    %broadcast_in_dim3A_260 = arith.constant 1.000000e+00 : f32
    %broadcast_in_dim3A_261 = vector.broadcast %broadcast_in_dim3A_260 : f32 to vector<16xf32>
    %swap3A_262 = arith.constant 32 : i32
    %swap3A_263 = arith.index_cast %swap3A_262 : i32 to index
    %swap3A_264 = arith.constant 0 : index
    %swap3A_265 = tpu.vector_load %arg19[%swap3A_263, %swap3A_264] {strides = array<i32>} : memref<80x16xf32, #tpu.memory_space<vmem>>, vector<1x16xf32>,
    %swap3A_266 = vector.shape_cast %swap3A_265 : vector<1x16xf32> to vector<16xf32>
    %swap3A_267 = vector.shape_cast %broadcast_in_dim3A_261 : vector<16xf32> to vector<1x16xf32>
    tpu.vector_store %arg19[%swap3A_263, %swap3A_264], %swap3A_267 {strides = array<i32>} : memref<80x16xf32, #tpu.memory_space<vmem>>, vector<1x16xf32>,
    %broadcast_in_dim3A_268 = arith.constant 1.000000e+00 : f32
    %broadcast_in_dim3A_269 = vector.broadcast %broadcast_in_dim3A_268 : f32 to vector<16xf32>
    %swap3A_270 = arith.constant 33 : i32
    %swap3A_271 = arith.index_cast %swap3A_270 : i32 to index
    %swap3A_272 = arith.constant 0 : index
    %swap3A_273 = tpu.vector_load %arg19[%swap3A_271, %swap3A_272] {strides = array<i32>} : memref<80x16xf32, #tpu.memory_space<vmem>>, vector<1x16xf32>,
    %swap3A_274 = vector.shape_cast %swap3A_273 : vector<1x16xf32> to vector<16xf32>
    %swap3A_275 = vector.shape_cast %broadcast_in_dim3A_269 : vector<16xf32> to vector<1x16xf32>
    tpu.vector_store %arg19[%swap3A_271, %swap3A_272], %swap3A_275 {strides = array<i32>} : memref<80x16xf32, #tpu.memory_space<vmem>>, vector<1x16xf32>,
    %broadcast_in_dim3A_276 = arith.constant 1.000000e+00 : f32
    %broadcast_in_dim3A_277 = vector.broadcast %broadcast_in_dim3A_276 : f32 to vector<16xf32>
    %swap3A_278 = arith.constant 34 : i32
    %swap3A_279 = arith.index_cast %swap3A_278 : i32 to index
    %swap3A_280 = arith.constant 0 : index
    %swap3A_281 = tpu.vector_load %arg19[%swap3A_279, %swap3A_280] {strides = array<i32>} : memref<80x16xf32, #tpu.memory_space<vmem>>, vector<1x16xf32>,
    %swap3A_282 = vector.shape_cast %swap3A_281 : vector<1x16xf32> to vector<16xf32>
    %swap3A_283 = vector.shape_cast %broadcast_in_dim3A_277 : vector<16xf32> to vector<1x16xf32>
    tpu.vector_store %arg19[%swap3A_279, %swap3A_280], %swap3A_283 {strides = array<i32>} : memref<80x16xf32, #tpu.memory_space<vmem>>, vector<1x16xf32>,
    %broadcast_in_dim3A_284 = arith.constant 1.000000e+00 : f32
    %broadcast_in_dim3A_285 = vector.broadcast %broadcast_in_dim3A_284 : f32 to vector<16xf32>
    %swap3A_286 = arith.constant 35 : i32
    %swap3A_287 = arith.index_cast %swap3A_286 : i32 to index
    %swap3A_288 = arith.constant 0 : index
    %swap3A_289 = tpu.vector_load %arg19[%swap3A_287, %swap3A_288] {strides = array<i32>} : memref<80x16xf32, #tpu.memory_space<vmem>>, vector<1x16xf32>,
    %swap3A_290 = vector.shape_cast %swap3A_289 : vector<1x16xf32> to vector<16xf32>
    %swap3A_291 = vector.shape_cast %broadcast_in_dim3A_285 : vector<16xf32> to vector<1x16xf32>
    tpu.vector_store %arg19[%swap3A_287, %swap3A_288], %swap3A_291 {strides = array<i32>} : memref<80x16xf32, #tpu.memory_space<vmem>>, vector<1x16xf32>,
    %broadcast_in_dim3A_292 = arith.constant 1.000000e+00 : f32
    %broadcast_in_dim3A_293 = vector.broadcast %broadcast_in_dim3A_292 : f32 to vector<16xf32>
    %swap3A_294 = arith.constant 36 : i32
    %swap3A_295 = arith.index_cast %swap3A_294 : i32 to index
    %swap3A_296 = arith.constant 0 : index
    %swap3A_297 = tpu.vector_load %arg19[%swap3A_295, %swap3A_296] {strides = array<i32>} : memref<80x16xf32, #tpu.memory_space<vmem>>, vector<1x16xf32>,
    %swap3A_298 = vector.shape_cast %swap3A_297 : vector<1x16xf32> to vector<16xf32>
    %swap3A_299 = vector.shape_cast %broadcast_in_dim3A_293 : vector<16xf32> to vector<1x16xf32>
    tpu.vector_store %arg19[%swap3A_295, %swap3A_296], %swap3A_299 {strides = array<i32>} : memref<80x16xf32, #tpu.memory_space<vmem>>, vector<1x16xf32>,
    %broadcast_in_dim3A_300 = arith.constant 1.000000e+00 : f32
    %broadcast_in_dim3A_301 = vector.broadcast %broadcast_in_dim3A_300 : f32 to vector<16xf32>
    %swap3A_302 = arith.constant 37 : i32
    %swap3A_303 = arith.index_cast %swap3A_302 : i32 to index
    %swap3A_304 = arith.constant 0 : index
    %swap3A_305 = tpu.vector_load %arg19[%swap3A_303, %swap3A_304] {strides = array<i32>} : memref<80x16xf32, #tpu.memory_space<vmem>>, vector<1x16xf32>,
    %swap3A_306 = vector.shape_cast %swap3A_305 : vector<1x16xf32> to vector<16xf32>
    %swap3A_307 = vector.shape_cast %broadcast_in_dim3A_301 : vector<16xf32> to vector<1x16xf32>
    tpu.vector_store %arg19[%swap3A_303, %swap3A_304], %swap3A_307 {strides = array<i32>} : memref<80x16xf32, #tpu.memory_space<vmem>>, vector<1x16xf32>,
    %broadcast_in_dim3A_308 = arith.constant 1.000000e+00 : f32
    %broadcast_in_dim3A_309 = vector.broadcast %broadcast_in_dim3A_308 : f32 to vector<16xf32>
    %swap3A_310 = arith.constant 38 : i32
    %swap3A_311 = arith.index_cast %swap3A_310 : i32 to index
    %swap3A_312 = arith.constant 0 : index
    %swap3A_313 = tpu.vector_load %arg19[%swap3A_311, %swap3A_312] {strides = array<i32>} : memref<80x16xf32, #tpu.memory_space<vmem>>, vector<1x16xf32>,
    %swap3A_314 = vector.shape_cast %swap3A_313 : vector<1x16xf32> to vector<16xf32>
    %swap3A_315 = vector.shape_cast %broadcast_in_dim3A_309 : vector<16xf32> to vector<1x16xf32>
    tpu.vector_store %arg19[%swap3A_311, %swap3A_312], %swap3A_315 {strides = array<i32>} : memref<80x16xf32, #tpu.memory_space<vmem>>, vector<1x16xf32>,
    %broadcast_in_dim3A_316 = arith.constant 1.000000e+00 : f32
    %broadcast_in_dim3A_317 = vector.broadcast %broadcast_in_dim3A_316 : f32 to vector<16xf32>
    %swap3A_318 = arith.constant 39 : i32
    %swap3A_319 = arith.index_cast %swap3A_318 : i32 to index
    %swap3A_320 = arith.constant 0 : index
    %swap3A_321 = tpu.vector_load %arg19[%swap3A_319, %swap3A_320] {strides = array<i32>} : memref<80x16xf32, #tpu.memory_space<vmem>>, vector<1x16xf32>,
    %swap3A_322 = vector.shape_cast %swap3A_321 : vector<1x16xf32> to vector<16xf32>
    %swap3A_323 = vector.shape_cast %broadcast_in_dim3A_317 : vector<16xf32> to vector<1x16xf32>
    tpu.vector_store %arg19[%swap3A_319, %swap3A_320], %swap3A_323 {strides = array<i32>} : memref<80x16xf32, #tpu.memory_space<vmem>>, vector<1x16xf32>,
    %broadcast_in_dim3A_324 = arith.constant 1.000000e+00 : f32
    %broadcast_in_dim3A_325 = vector.broadcast %broadcast_in_dim3A_324 : f32 to vector<16xf32>
    %swap3A_326 = arith.constant 40 : i32
    %swap3A_327 = arith.index_cast %swap3A_326 : i32 to index
    %swap3A_328 = arith.constant 0 : index
    %swap3A_329 = tpu.vector_load %arg19[%swap3A_327, %swap3A_328] {strides = array<i32>} : memref<80x16xf32, #tpu.memory_space<vmem>>, vector<1x16xf32>,
    %swap3A_330 = vector.shape_cast %swap3A_329 : vector<1x16xf32> to vector<16xf32>
    %swap3A_331 = vector.shape_cast %broadcast_in_dim3A_325 : vector<16xf32> to vector<1x16xf32>
    tpu.vector_store %arg19[%swap3A_327, %swap3A_328], %swap3A_331 {strides = array<i32>} : memref<80x16xf32, #tpu.memory_space<vmem>>, vector<1x16xf32>,
    %broadcast_in_dim3A_332 = arith.constant 1.000000e+00 : f32
    %broadcast_in_dim3A_333 = vector.broadcast %broadcast_in_dim3A_332 : f32 to vector<16xf32>
    %swap3A_334 = arith.constant 41 : i32
    %swap3A_335 = arith.index_cast %swap3A_334 : i32 to index
    %swap3A_336 = arith.constant 0 : index
    %swap3A_337 = tpu.vector_load %arg19[%swap3A_335, %swap3A_336] {strides = array<i32>} : memref<80x16xf32, #tpu.memory_space<vmem>>, vector<1x16xf32>,
    %swap3A_338 = vector.shape_cast %swap3A_337 : vector<1x16xf32> to vector<16xf32>
    %swap3A_339 = vector.shape_cast %broadcast_in_dim3A_333 : vector<16xf32> to vector<1x16xf32>
    tpu.vector_store %arg19[%swap3A_335, %swap3A_336], %swap3A_339 {strides = array<i32>} : memref<80x16xf32, #tpu.memory_space<vmem>>, vector<1x16xf32>,
    %broadcast_in_dim3A_340 = arith.constant 1.000000e+00 : f32
    %broadcast_in_dim3A_341 = vector.broadcast %broadcast_in_dim3A_340 : f32 to vector<16xf32>
    %swap3A_342 = arith.constant 42 : i32
    %swap3A_343 = arith.index_cast %swap3A_342 : i32 to index
    %swap3A_344 = arith.constant 0 : index
    %swap3A_345 = tpu.vector_load %arg19[%swap3A_343, %swap3A_344] {strides = array<i32>} : memref<80x16xf32, #tpu.memory_space<vmem>>, vector<1x16xf32>,
    %swap3A_346 = vector.shape_cast %swap3A_345 : vector<1x16xf32> to vector<16xf32>
    %swap3A_347 = vector.shape_cast %broadcast_in_dim3A_341 : vector<16xf32> to vector<1x16xf32>
    tpu.vector_store %arg19[%swap3A_343, %swap3A_344], %swap3A_347 {strides = array<i32>} : memref<80x16xf32, #tpu.memory_space<vmem>>, vector<1x16xf32>,
    %broadcast_in_dim3A_348 = arith.constant 1.000000e+00 : f32
    %broadcast_in_dim3A_349 = vector.broadcast %broadcast_in_dim3A_348 : f32 to vector<16xf32>
    %swap3A_350 = arith.constant 43 : i32
    %swap3A_351 = arith.index_cast %swap3A_350 : i32 to index
    %swap3A_352 = arith.constant 0 : index
    %swap3A_353 = tpu.vector_load %arg19[%swap3A_351, %swap3A_352] {strides = array<i32>} : memref<80x16xf32, #tpu.memory_space<vmem>>, vector<1x16xf32>,
    %swap3A_354 = vector.shape_cast %swap3A_353 : vector<1x16xf32> to vector<16xf32>
    %swap3A_355 = vector.shape_cast %broadcast_in_dim3A_349 : vector<16xf32> to vector<1x16xf32>
    tpu.vector_store %arg19[%swap3A_351, %swap3A_352], %swap3A_355 {strides = array<i32>} : memref<80x16xf32, #tpu.memory_space<vmem>>, vector<1x16xf32>,
    %broadcast_in_dim3A_356 = arith.constant 1.000000e+00 : f32
    %broadcast_in_dim3A_357 = vector.broadcast %broadcast_in_dim3A_356 : f32 to vector<16xf32>
    %swap3A_358 = arith.constant 44 : i32
    %swap3A_359 = arith.index_cast %swap3A_358 : i32 to index
    %swap3A_360 = arith.constant 0 : index
    %swap3A_361 = tpu.vector_load %arg19[%swap3A_359, %swap3A_360] {strides = array<i32>} : memref<80x16xf32, #tpu.memory_space<vmem>>, vector<1x16xf32>,
    %swap3A_362 = vector.shape_cast %swap3A_361 : vector<1x16xf32> to vector<16xf32>
    %swap3A_363 = vector.shape_cast %broadcast_in_dim3A_357 : vector<16xf32> to vector<1x16xf32>
    tpu.vector_store %arg19[%swap3A_359, %swap3A_360], %swap3A_363 {strides = array<i32>} : memref<80x16xf32, #tpu.memory_space<vmem>>, vector<1x16xf32>,
    %broadcast_in_dim3A_364 = arith.constant 1.000000e+00 : f32
    %broadcast_in_dim3A_365 = vector.broadcast %broadcast_in_dim3A_364 : f32 to vector<16xf32>
    %swap3A_366 = arith.constant 45 : i32
    %swap3A_367 = arith.index_cast %swap3A_366 : i32 to index
    %swap3A_368 = arith.constant 0 : index
    %swap3A_369 = tpu.vector_load %arg19[%swap3A_367, %swap3A_368] {strides = array<i32>} : memref<80x16xf32, #tpu.memory_space<vmem>>, vector<1x16xf32>,
    %swap3A_370 = vector.shape_cast %swap3A_369 : vector<1x16xf32> to vector<16xf32>
    %swap3A_371 = vector.shape_cast %broadcast_in_dim3A_365 : vector<16xf32> to vector<1x16xf32>
    tpu.vector_store %arg19[%swap3A_367, %swap3A_368], %swap3A_371 {strides = array<i32>} : memref<80x16xf32, #tpu.memory_space<vmem>>, vector<1x16xf32>,
    %broadcast_in_dim3A_372 = arith.constant 1.000000e+00 : f32
    %broadcast_in_dim3A_373 = vector.broadcast %broadcast_in_dim3A_372 : f32 to vector<16xf32>
    %swap3A_374 = arith.constant 46 : i32
    %swap3A_375 = arith.index_cast %swap3A_374 : i32 to index
    %swap3A_376 = arith.constant 0 : index
    %swap3A_377 = tpu.vector_load %arg19[%swap3A_375, %swap3A_376] {strides = array<i32>} : memref<80x16xf32, #tpu.memory_space<vmem>>, vector<1x16xf32>,
    %swap3A_378 = vector.shape_cast %swap3A_377 : vector<1x16xf32> to vector<16xf32>
    %swap3A_379 = vector.shape_cast %broadcast_in_dim3A_373 : vector<16xf32> to vector<1x16xf32>
    tpu.vector_store %arg19[%swap3A_375, %swap3A_376], %swap3A_379 {strides = array<i32>} : memref<80x16xf32, #tpu.memory_space<vmem>>, vector<1x16xf32>,
    %broadcast_in_dim3A_380 = arith.constant 1.000000e+00 : f32
    %broadcast_in_dim3A_381 = vector.broadcast %broadcast_in_dim3A_380 : f32 to vector<16xf32>
    %swap3A_382 = arith.constant 47 : i32
    %swap3A_383 = arith.index_cast %swap3A_382 : i32 to index
    %swap3A_384 = arith.constant 0 : index
    %swap3A_385 = tpu.vector_load %arg19[%swap3A_383, %swap3A_384] {strides = array<i32>} : memref<80x16xf32, #tpu.memory_space<vmem>>, vector<1x16xf32>,
    %swap3A_386 = vector.shape_cast %swap3A_385 : vector<1x16xf32> to vector<16xf32>
    %swap3A_387 = vector.shape_cast %broadcast_in_dim3A_381 : vector<16xf32> to vector<1x16xf32>
    tpu.vector_store %arg19[%swap3A_383, %swap3A_384], %swap3A_387 {strides = array<i32>} : memref<80x16xf32, #tpu.memory_space<vmem>>, vector<1x16xf32>,
    %broadcast_in_dim3A_388 = arith.constant 1.000000e+00 : f32
    %broadcast_in_dim3A_389 = vector.broadcast %broadcast_in_dim3A_388 : f32 to vector<16xf32>
    %swap3A_390 = arith.constant 48 : i32
    %swap3A_391 = arith.index_cast %swap3A_390 : i32 to index
    %swap3A_392 = arith.constant 0 : index
    %swap3A_393 = tpu.vector_load %arg19[%swap3A_391, %swap3A_392] {strides = array<i32>} : memref<80x16xf32, #tpu.memory_space<vmem>>, vector<1x16xf32>,
    %swap3A_394 = vector.shape_cast %swap3A_393 : vector<1x16xf32> to vector<16xf32>
    %swap3A_395 = vector.shape_cast %broadcast_in_dim3A_389 : vector<16xf32> to vector<1x16xf32>
    tpu.vector_store %arg19[%swap3A_391, %swap3A_392], %swap3A_395 {strides = array<i32>} : memref<80x16xf32, #tpu.memory_space<vmem>>, vector<1x16xf32>,
    %broadcast_in_dim3A_396 = arith.constant 1.000000e+00 : f32
    %broadcast_in_dim3A_397 = vector.broadcast %broadcast_in_dim3A_396 : f32 to vector<16xf32>
    %swap3A_398 = arith.constant 49 : i32
    %swap3A_399 = arith.index_cast %swap3A_398 : i32 to index
    %swap3A_400 = arith.constant 0 : index
    %swap3A_401 = tpu.vector_load %arg19[%swap3A_399, %swap3A_400] {strides = array<i32>} : memref<80x16xf32, #tpu.memory_space<vmem>>, vector<1x16xf32>,
    %swap3A_402 = vector.shape_cast %swap3A_401 : vector<1x16xf32> to vector<16xf32>
    %swap3A_403 = vector.shape_cast %broadcast_in_dim3A_397 : vector<16xf32> to vector<1x16xf32>
    tpu.vector_store %arg19[%swap3A_399, %swap3A_400], %swap3A_403 {strides = array<i32>} : memref<80x16xf32, #tpu.memory_space<vmem>>, vector<1x16xf32>,
    %broadcast_in_dim3A_404 = arith.constant 1.000000e+00 : f32
    %broadcast_in_dim3A_405 = vector.broadcast %broadcast_in_dim3A_404 : f32 to vector<16xf32>
    %swap3A_406 = arith.constant 50 : i32
    %swap3A_407 = arith.index_cast %swap3A_406 : i32 to index
    %swap3A_408 = arith.constant 0 : index
    %swap3A_409 = tpu.vector_load %arg19[%swap3A_407, %swap3A_408] {strides = array<i32>} : memref<80x16xf32, #tpu.memory_space<vmem>>, vector<1x16xf32>,
    %swap3A_410 = vector.shape_cast %swap3A_409 : vector<1x16xf32> to vector<16xf32>
    %swap3A_411 = vector.shape_cast %broadcast_in_dim3A_405 : vector<16xf32> to vector<1x16xf32>
    tpu.vector_store %arg19[%swap3A_407, %swap3A_408], %swap3A_411 {strides = array<i32>} : memref<80x16xf32, #tpu.memory_space<vmem>>, vector<1x16xf32>,
    %broadcast_in_dim3A_412 = arith.constant 1.000000e+00 : f32
    %broadcast_in_dim3A_413 = vector.broadcast %broadcast_in_dim3A_412 : f32 to vector<16xf32>
    %swap3A_414 = arith.constant 51 : i32
    %swap3A_415 = arith.index_cast %swap3A_414 : i32 to index
    %swap3A_416 = arith.constant 0 : index
    %swap3A_417 = tpu.vector_load %arg19[%swap3A_415, %swap3A_416] {strides = array<i32>} : memref<80x16xf32, #tpu.memory_space<vmem>>, vector<1x16xf32>,
    %swap3A_418 = vector.shape_cast %swap3A_417 : vector<1x16xf32> to vector<16xf32>
    %swap3A_419 = vector.shape_cast %broadcast_in_dim3A_413 : vector<16xf32> to vector<1x16xf32>
    tpu.vector_store %arg19[%swap3A_415, %swap3A_416], %swap3A_419 {strides = array<i32>} : memref<80x16xf32, #tpu.memory_space<vmem>>, vector<1x16xf32>,
    %broadcast_in_dim3A_420 = arith.constant 1.000000e+00 : f32
    %broadcast_in_dim3A_421 = vector.broadcast %broadcast_in_dim3A_420 : f32 to vector<16xf32>
    %swap3A_422 = arith.constant 52 : i32
    %swap3A_423 = arith.index_cast %swap3A_422 : i32 to index
    %swap3A_424 = arith.constant 0 : index
    %swap3A_425 = tpu.vector_load %arg19[%swap3A_423, %swap3A_424] {strides = array<i32>} : memref<80x16xf32, #tpu.memory_space<vmem>>, vector<1x16xf32>,
    %swap3A_426 = vector.shape_cast %swap3A_425 : vector<1x16xf32> to vector<16xf32>
    %swap3A_427 = vector.shape_cast %broadcast_in_dim3A_421 : vector<16xf32> to vector<1x16xf32>
    tpu.vector_store %arg19[%swap3A_423, %swap3A_424], %swap3A_427 {strides = array<i32>} : memref<80x16xf32, #tpu.memory_space<vmem>>, vector<1x16xf32>,
    %broadcast_in_dim3A_428 = arith.constant 1.000000e+00 : f32
    %broadcast_in_dim3A_429 = vector.broadcast %broadcast_in_dim3A_428 : f32 to vector<16xf32>
    %swap3A_430 = arith.constant 53 : i32
    %swap3A_431 = arith.index_cast %swap3A_430 : i32 to index
    %swap3A_432 = arith.constant 0 : index
    %swap3A_433 = tpu.vector_load %arg19[%swap3A_431, %swap3A_432] {strides = array<i32>} : memref<80x16xf32, #tpu.memory_space<vmem>>, vector<1x16xf32>,
    %swap3A_434 = vector.shape_cast %swap3A_433 : vector<1x16xf32> to vector<16xf32>
    %swap3A_435 = vector.shape_cast %broadcast_in_dim3A_429 : vector<16xf32> to vector<1x16xf32>
    tpu.vector_store %arg19[%swap3A_431, %swap3A_432], %swap3A_435 {strides = array<i32>} : memref<80x16xf32, #tpu.memory_space<vmem>>, vector<1x16xf32>,
    %broadcast_in_dim3A_436 = arith.constant 1.000000e+00 : f32
    %broadcast_in_dim3A_437 = vector.broadcast %broadcast_in_dim3A_436 : f32 to vector<16xf32>
    %swap3A_438 = arith.constant 54 : i32
    %swap3A_439 = arith.index_cast %swap3A_438 : i32 to index
    %swap3A_440 = arith.constant 0 : index
    %swap3A_441 = tpu.vector_load %arg19[%swap3A_439, %swap3A_440] {strides = array<i32>} : memref<80x16xf32, #tpu.memory_space<vmem>>, vector<1x16xf32>,
    %swap3A_442 = vector.shape_cast %swap3A_441 : vector<1x16xf32> to vector<16xf32>
    %swap3A_443 = vector.shape_cast %broadcast_in_dim3A_437 : vector<16xf32> to vector<1x16xf32>
    tpu.vector_store %arg19[%swap3A_439, %swap3A_440], %swap3A_443 {strides = array<i32>} : memref<80x16xf32, #tpu.memory_space<vmem>>, vector<1x16xf32>,
    %broadcast_in_dim3A_444 = arith.constant 1.000000e+00 : f32
    %broadcast_in_dim3A_445 = vector.broadcast %broadcast_in_dim3A_444 : f32 to vector<16xf32>
    %swap3A_446 = arith.constant 55 : i32
    %swap3A_447 = arith.index_cast %swap3A_446 : i32 to index
    %swap3A_448 = arith.constant 0 : index
    %swap3A_449 = tpu.vector_load %arg19[%swap3A_447, %swap3A_448] {strides = array<i32>} : memref<80x16xf32, #tpu.memory_space<vmem>>, vector<1x16xf32>,
    %swap3A_450 = vector.shape_cast %swap3A_449 : vector<1x16xf32> to vector<16xf32>
    %swap3A_451 = vector.shape_cast %broadcast_in_dim3A_445 : vector<16xf32> to vector<1x16xf32>
    tpu.vector_store %arg19[%swap3A_447, %swap3A_448], %swap3A_451 {strides = array<i32>} : memref<80x16xf32, #tpu.memory_space<vmem>>, vector<1x16xf32>,
    %broadcast_in_dim3A_452 = arith.constant 1.000000e+00 : f32
    %broadcast_in_dim3A_453 = vector.broadcast %broadcast_in_dim3A_452 : f32 to vector<16xf32>
    %swap3A_454 = arith.constant 56 : i32
    %swap3A_455 = arith.index_cast %swap3A_454 : i32 to index
    %swap3A_456 = arith.constant 0 : index
    %swap3A_457 = tpu.vector_load %arg19[%swap3A_455, %swap3A_456] {strides = array<i32>} : memref<80x16xf32, #tpu.memory_space<vmem>>, vector<1x16xf32>,
    %swap3A_458 = vector.shape_cast %swap3A_457 : vector<1x16xf32> to vector<16xf32>
    %swap3A_459 = vector.shape_cast %broadcast_in_dim3A_453 : vector<16xf32> to vector<1x16xf32>
    tpu.vector_store %arg19[%swap3A_455, %swap3A_456], %swap3A_459 {strides = array<i32>} : memref<80x16xf32, #tpu.memory_space<vmem>>, vector<1x16xf32>,
    %broadcast_in_dim3A_460 = arith.constant 1.000000e+00 : f32
    %broadcast_in_dim3A_461 = vector.broadcast %broadcast_in_dim3A_460 : f32 to vector<16xf32>
    %swap3A_462 = arith.constant 57 : i32
    %swap3A_463 = arith.index_cast %swap3A_462 : i32 to index
    %swap3A_464 = arith.constant 0 : index
    %swap3A_465 = tpu.vector_load %arg19[%swap3A_463, %swap3A_464] {strides = array<i32>} : memref<80x16xf32, #tpu.memory_space<vmem>>, vector<1x16xf32>,
    %swap3A_466 = vector.shape_cast %swap3A_465 : vector<1x16xf32> to vector<16xf32>
    %swap3A_467 = vector.shape_cast %broadcast_in_dim3A_461 : vector<16xf32> to vector<1x16xf32>
    tpu.vector_store %arg19[%swap3A_463, %swap3A_464], %swap3A_467 {strides = array<i32>} : memref<80x16xf32, #tpu.memory_space<vmem>>, vector<1x16xf32>,
    %broadcast_in_dim3A_468 = arith.constant 1.000000e+00 : f32
    %broadcast_in_dim3A_469 = vector.broadcast %broadcast_in_dim3A_468 : f32 to vector<16xf32>
    %swap3A_470 = arith.constant 58 : i32
    %swap3A_471 = arith.index_cast %swap3A_470 : i32 to index
    %swap3A_472 = arith.constant 0 : index
    %swap3A_473 = tpu.vector_load %arg19[%swap3A_471, %swap3A_472] {strides = array<i32>} : memref<80x16xf32, #tpu.memory_space<vmem>>, vector<1x16xf32>,
    %swap3A_474 = vector.shape_cast %swap3A_473 : vector<1x16xf32> to vector<16xf32>
    %swap3A_475 = vector.shape_cast %broadcast_in_dim3A_469 : vector<16xf32> to vector<1x16xf32>
    tpu.vector_store %arg19[%swap3A_471, %swap3A_472], %swap3A_475 {strides = array<i32>} : memref<80x16xf32, #tpu.memory_space<vmem>>, vector<1x16xf32>,
    %broadcast_in_dim3A_476 = arith.constant 1.000000e+00 : f32
    %broadcast_in_dim3A_477 = vector.broadcast %broadcast_in_dim3A_476 : f32 to vector<16xf32>
    %swap3A_478 = arith.constant 59 : i32
    %swap3A_479 = arith.index_cast %swap3A_478 : i32 to index
    %swap3A_480 = arith.constant 0 : index
    %swap3A_481 = tpu.vector_load %arg19[%swap3A_479, %swap3A_480] {strides = array<i32>} : memref<80x16xf32, #tpu.memory_space<vmem>>, vector<1x16xf32>,
    %swap3A_482 = vector.shape_cast %swap3A_481 : vector<1x16xf32> to vector<16xf32>
    %swap3A_483 = vector.shape_cast %broadcast_in_dim3A_477 : vector<16xf32> to vector<1x16xf32>
    tpu.vector_store %arg19[%swap3A_479, %swap3A_480], %swap3A_483 {strides = array<i32>} : memref<80x16xf32, #tpu.memory_space<vmem>>, vector<1x16xf32>,
    %broadcast_in_dim3A_484 = arith.constant 1.000000e+00 : f32
    %broadcast_in_dim3A_485 = vector.broadcast %broadcast_in_dim3A_484 : f32 to vector<16xf32>
    %swap3A_486 = arith.constant 60 : i32
    %swap3A_487 = arith.index_cast %swap3A_486 : i32 to index
    %swap3A_488 = arith.constant 0 : index
    %swap3A_489 = tpu.vector_load %arg19[%swap3A_487, %swap3A_488] {strides = array<i32>} : memref<80x16xf32, #tpu.memory_space<vmem>>, vector<1x16xf32>,
    %swap3A_490 = vector.shape_cast %swap3A_489 : vector<1x16xf32> to vector<16xf32>
    %swap3A_491 = vector.shape_cast %broadcast_in_dim3A_485 : vector<16xf32> to vector<1x16xf32>
    tpu.vector_store %arg19[%swap3A_487, %swap3A_488], %swap3A_491 {strides = array<i32>} : memref<80x16xf32, #tpu.memory_space<vmem>>, vector<1x16xf32>,
    %broadcast_in_dim3A_492 = arith.constant 1.000000e+00 : f32
    %broadcast_in_dim3A_493 = vector.broadcast %broadcast_in_dim3A_492 : f32 to vector<16xf32>
    %swap3A_494 = arith.constant 61 : i32
    %swap3A_495 = arith.index_cast %swap3A_494 : i32 to index
    %swap3A_496 = arith.constant 0 : index
    %swap3A_497 = tpu.vector_load %arg19[%swap3A_495, %swap3A_496] {strides = array<i32>} : memref<80x16xf32, #tpu.memory_space<vmem>>, vector<1x16xf32>,
    %swap3A_498 = vector.shape_cast %swap3A_497 : vector<1x16xf32> to vector<16xf32>
    %swap3A_499 = vector.shape_cast %broadcast_in_dim3A_493 : vector<16xf32> to vector<1x16xf32>
    tpu.vector_store %arg19[%swap3A_495, %swap3A_496], %swap3A_499 {strides = array<i32>} : memref<80x16xf32, #tpu.memory_space<vmem>>, vector<1x16xf32>,
    %broadcast_in_dim3A_500 = arith.constant 1.000000e+00 : f32
    %broadcast_in_dim3A_501 = vector.broadcast %broadcast_in_dim3A_500 : f32 to vector<16xf32>
    %swap3A_502 = arith.constant 62 : i32
    %swap3A_503 = arith.index_cast %swap3A_502 : i32 to index
    %swap3A_504 = arith.constant 0 : index
    %swap3A_505 = tpu.vector_load %arg19[%swap3A_503, %swap3A_504] {strides = array<i32>} : memref<80x16xf32, #tpu.memory_space<vmem>>, vector<1x16xf32>,
    %swap3A_506 = vector.shape_cast %swap3A_505 : vector<1x16xf32> to vector<16xf32>
    %swap3A_507 = vector.shape_cast %broadcast_in_dim3A_501 : vector<16xf32> to vector<1x16xf32>
    tpu.vector_store %arg19[%swap3A_503, %swap3A_504], %swap3A_507 {strides = array<i32>} : memref<80x16xf32, #tpu.memory_space<vmem>>, vector<1x16xf32>,
    %broadcast_in_dim3A_508 = arith.constant 1.000000e+00 : f32
    %broadcast_in_dim3A_509 = vector.broadcast %broadcast_in_dim3A_508 : f32 to vector<16xf32>
    %swap3A_510 = arith.constant 63 : i32
    %swap3A_511 = arith.index_cast %swap3A_510 : i32 to index
    %swap3A_512 = arith.constant 0 : index
    %swap3A_513 = tpu.vector_load %arg19[%swap3A_511, %swap3A_512] {strides = array<i32>} : memref<80x16xf32, #tpu.memory_space<vmem>>, vector<1x16xf32>,
    %swap3A_514 = vector.shape_cast %swap3A_513 : vector<1x16xf32> to vector<16xf32>
    %swap3A_515 = vector.shape_cast %broadcast_in_dim3A_509 : vector<16xf32> to vector<1x16xf32>
    tpu.vector_store %arg19[%swap3A_511, %swap3A_512], %swap3A_515 {strides = array<i32>} : memref<80x16xf32, #tpu.memory_space<vmem>>, vector<1x16xf32>,
    %broadcast_in_dim3A_516 = arith.constant 1.000000e+00 : f32
    %broadcast_in_dim3A_517 = vector.broadcast %broadcast_in_dim3A_516 : f32 to vector<16xf32>
    %swap3A_518 = arith.constant 64 : i32
    %swap3A_519 = arith.index_cast %swap3A_518 : i32 to index
    %swap3A_520 = arith.constant 0 : index
    %swap3A_521 = tpu.vector_load %arg19[%swap3A_519, %swap3A_520] {strides = array<i32>} : memref<80x16xf32, #tpu.memory_space<vmem>>, vector<1x16xf32>,
    %swap3A_522 = vector.shape_cast %swap3A_521 : vector<1x16xf32> to vector<16xf32>
    %swap3A_523 = vector.shape_cast %broadcast_in_dim3A_517 : vector<16xf32> to vector<1x16xf32>
    tpu.vector_store %arg19[%swap3A_519, %swap3A_520], %swap3A_523 {strides = array<i32>} : memref<80x16xf32, #tpu.memory_space<vmem>>, vector<1x16xf32>,
    %broadcast_in_dim3A_524 = arith.constant 1.000000e+00 : f32
    %broadcast_in_dim3A_525 = vector.broadcast %broadcast_in_dim3A_524 : f32 to vector<16xf32>
    %swap3A_526 = arith.constant 65 : i32
    %swap3A_527 = arith.index_cast %swap3A_526 : i32 to index
    %swap3A_528 = arith.constant 0 : index
    %swap3A_529 = tpu.vector_load %arg19[%swap3A_527, %swap3A_528] {strides = array<i32>} : memref<80x16xf32, #tpu.memory_space<vmem>>, vector<1x16xf32>,
    %swap3A_530 = vector.shape_cast %swap3A_529 : vector<1x16xf32> to vector<16xf32>
    %swap3A_531 = vector.shape_cast %broadcast_in_dim3A_525 : vector<16xf32> to vector<1x16xf32>
    tpu.vector_store %arg19[%swap3A_527, %swap3A_528], %swap3A_531 {strides = array<i32>} : memref<80x16xf32, #tpu.memory_space<vmem>>, vector<1x16xf32>,
    %broadcast_in_dim3A_532 = arith.constant 1.000000e+00 : f32
    %broadcast_in_dim3A_533 = vector.broadcast %broadcast_in_dim3A_532 : f32 to vector<16xf32>
    %swap3A_534 = arith.constant 66 : i32
    %swap3A_535 = arith.index_cast %swap3A_534 : i32 to index
    %swap3A_536 = arith.constant 0 : index
    %swap3A_537 = tpu.vector_load %arg19[%swap3A_535, %swap3A_536] {strides = array<i32>} : memref<80x16xf32, #tpu.memory_space<vmem>>, vector<1x16xf32>,
    %swap3A_538 = vector.shape_cast %swap3A_537 : vector<1x16xf32> to vector<16xf32>
    %swap3A_539 = vector.shape_cast %broadcast_in_dim3A_533 : vector<16xf32> to vector<1x16xf32>
    tpu.vector_store %arg19[%swap3A_535, %swap3A_536], %swap3A_539 {strides = array<i32>} : memref<80x16xf32, #tpu.memory_space<vmem>>, vector<1x16xf32>,
    %broadcast_in_dim3A_540 = arith.constant 1.000000e+00 : f32
    %broadcast_in_dim3A_541 = vector.broadcast %broadcast_in_dim3A_540 : f32 to vector<16xf32>
    %swap3A_542 = arith.constant 67 : i32
    %swap3A_543 = arith.index_cast %swap3A_542 : i32 to index
    %swap3A_544 = arith.constant 0 : index
    %swap3A_545 = tpu.vector_load %arg19[%swap3A_543, %swap3A_544] {strides = array<i32>} : memref<80x16xf32, #tpu.memory_space<vmem>>, vector<1x16xf32>,
    %swap3A_546 = vector.shape_cast %swap3A_545 : vector<1x16xf32> to vector<16xf32>
    %swap3A_547 = vector.shape_cast %broadcast_in_dim3A_541 : vector<16xf32> to vector<1x16xf32>
    tpu.vector_store %arg19[%swap3A_543, %swap3A_544], %swap3A_547 {strides = array<i32>} : memref<80x16xf32, #tpu.memory_space<vmem>>, vector<1x16xf32>,
    %broadcast_in_dim3A_548 = arith.constant 1.000000e+00 : f32
    %broadcast_in_dim3A_549 = vector.broadcast %broadcast_in_dim3A_548 : f32 to vector<16xf32>
    %swap3A_550 = arith.constant 68 : i32
    %swap3A_551 = arith.index_cast %swap3A_550 : i32 to index
    %swap3A_552 = arith.constant 0 : index
    %swap3A_553 = tpu.vector_load %arg19[%swap3A_551, %swap3A_552] {strides = array<i32>} : memref<80x16xf32, #tpu.memory_space<vmem>>, vector<1x16xf32>,
    %swap3A_554 = vector.shape_cast %swap3A_553 : vector<1x16xf32> to vector<16xf32>
    %swap3A_555 = vector.shape_cast %broadcast_in_dim3A_549 : vector<16xf32> to vector<1x16xf32>
    tpu.vector_store %arg19[%swap3A_551, %swap3A_552], %swap3A_555 {strides = array<i32>} : memref<80x16xf32, #tpu.memory_space<vmem>>, vector<1x16xf32>,
    %broadcast_in_dim3A_556 = arith.constant 1.000000e+00 : f32
    %broadcast_in_dim3A_557 = vector.broadcast %broadcast_in_dim3A_556 : f32 to vector<16xf32>
    %swap3A_558 = arith.constant 69 : i32
    %swap3A_559 = arith.index_cast %swap3A_558 : i32 to index
    %swap3A_560 = arith.constant 0 : index
    %swap3A_561 = tpu.vector_load %arg19[%swap3A_559, %swap3A_560] {strides = array<i32>} : memref<80x16xf32, #tpu.memory_space<vmem>>, vector<1x16xf32>,
    %swap3A_562 = vector.shape_cast %swap3A_561 : vector<1x16xf32> to vector<16xf32>
    %swap3A_563 = vector.shape_cast %broadcast_in_dim3A_557 : vector<16xf32> to vector<1x16xf32>
    tpu.vector_store %arg19[%swap3A_559, %swap3A_560], %swap3A_563 {strides = array<i32>} : memref<80x16xf32, #tpu.memory_space<vmem>>, vector<1x16xf32>,
    %broadcast_in_dim3A_564 = arith.constant 1.000000e+00 : f32
    %broadcast_in_dim3A_565 = vector.broadcast %broadcast_in_dim3A_564 : f32 to vector<16xf32>
    %swap3A_566 = arith.constant 70 : i32
    %swap3A_567 = arith.index_cast %swap3A_566 : i32 to index
    %swap3A_568 = arith.constant 0 : index
    %swap3A_569 = tpu.vector_load %arg19[%swap3A_567, %swap3A_568] {strides = array<i32>} : memref<80x16xf32, #tpu.memory_space<vmem>>, vector<1x16xf32>,
    %swap3A_570 = vector.shape_cast %swap3A_569 : vector<1x16xf32> to vector<16xf32>
    %swap3A_571 = vector.shape_cast %broadcast_in_dim3A_565 : vector<16xf32> to vector<1x16xf32>
    tpu.vector_store %arg19[%swap3A_567, %swap3A_568], %swap3A_571 {strides = array<i32>} : memref<80x16xf32, #tpu.memory_space<vmem>>, vector<1x16xf32>,
    %broadcast_in_dim3A_572 = arith.constant 1.000000e+00 : f32
    %broadcast_in_dim3A_573 = vector.broadcast %broadcast_in_dim3A_572 : f32 to vector<16xf32>
    %swap3A_574 = arith.constant 71 : i32
    %swap3A_575 = arith.index_cast %swap3A_574 : i32 to index
    %swap3A_576 = arith.constant 0 : index
    %swap3A_577 = tpu.vector_load %arg19[%swap3A_575, %swap3A_576] {strides = array<i32>} : memref<80x16xf32, #tpu.memory_space<vmem>>, vector<1x16xf32>,
    %swap3A_578 = vector.shape_cast %swap3A_577 : vector<1x16xf32> to vector<16xf32>
    %swap3A_579 = vector.shape_cast %broadcast_in_dim3A_573 : vector<16xf32> to vector<1x16xf32>
    tpu.vector_store %arg19[%swap3A_575, %swap3A_576], %swap3A_579 {strides = array<i32>} : memref<80x16xf32, #tpu.memory_space<vmem>>, vector<1x16xf32>,
    %broadcast_in_dim3A_580 = arith.constant 1.000000e+00 : f32
    %broadcast_in_dim3A_581 = vector.broadcast %broadcast_in_dim3A_580 : f32 to vector<16xf32>
    %swap3A_582 = arith.constant 72 : i32
    %swap3A_583 = arith.index_cast %swap3A_582 : i32 to index
    %swap3A_584 = arith.constant 0 : index
    %swap3A_585 = tpu.vector_load %arg19[%swap3A_583, %swap3A_584] {strides = array<i32>} : memref<80x16xf32, #tpu.memory_space<vmem>>, vector<1x16xf32>,
    %swap3A_586 = vector.shape_cast %swap3A_585 : vector<1x16xf32> to vector<16xf32>
    %swap3A_587 = vector.shape_cast %broadcast_in_dim3A_581 : vector<16xf32> to vector<1x16xf32>
    tpu.vector_store %arg19[%swap3A_583, %swap3A_584], %swap3A_587 {strides = array<i32>} : memref<80x16xf32, #tpu.memory_space<vmem>>, vector<1x16xf32>,
    %broadcast_in_dim3A_588 = arith.constant 1.000000e+00 : f32
    %broadcast_in_dim3A_589 = vector.broadcast %broadcast_in_dim3A_588 : f32 to vector<16xf32>
    %swap3A_590 = arith.constant 73 : i32
    %swap3A_591 = arith.index_cast %swap3A_590 : i32 to index
    %swap3A_592 = arith.constant 0 : index
    %swap3A_593 = tpu.vector_load %arg19[%swap3A_591, %swap3A_592] {strides = array<i32>} : memref<80x16xf32, #tpu.memory_space<vmem>>, vector<1x16xf32>,
    %swap3A_594 = vector.shape_cast %swap3A_593 : vector<1x16xf32> to vector<16xf32>
    %swap3A_595 = vector.shape_cast %broadcast_in_dim3A_589 : vector<16xf32> to vector<1x16xf32>
    tpu.vector_store %arg19[%swap3A_591, %swap3A_592], %swap3A_595 {strides = array<i32>} : memref<80x16xf32, #tpu.memory_space<vmem>>, vector<1x16xf32>,
    %broadcast_in_dim3A_596 = arith.constant 1.000000e+00 : f32
    %broadcast_in_dim3A_597 = vector.broadcast %broadcast_in_dim3A_596 : f32 to vector<16xf32>
    %swap3A_598 = arith.constant 74 : i32
    %swap3A_599 = arith.index_cast %swap3A_598 : i32 to index
    %swap3A_600 = arith.constant 0 : index
    %swap3A_601 = tpu.vector_load %arg19[%swap3A_599, %swap3A_600] {strides = array<i32>} : memref<80x16xf32, #tpu.memory_space<vmem>>, vector<1x16xf32>,
    %swap3A_602 = vector.shape_cast %swap3A_601 : vector<1x16xf32> to vector<16xf32>
    %swap3A_603 = vector.shape_cast %broadcast_in_dim3A_597 : vector<16xf32> to vector<1x16xf32>
    tpu.vector_store %arg19[%swap3A_599, %swap3A_600], %swap3A_603 {strides = array<i32>} : memref<80x16xf32, #tpu.memory_space<vmem>>, vector<1x16xf32>,
    %broadcast_in_dim3A_604 = arith.constant 1.000000e+00 : f32
    %broadcast_in_dim3A_605 = vector.broadcast %broadcast_in_dim3A_604 : f32 to vector<16xf32>
    %swap3A_606 = arith.constant 75 : i32
    %swap3A_607 = arith.index_cast %swap3A_606 : i32 to index
    %swap3A_608 = arith.constant 0 : index
    %swap3A_609 = tpu.vector_load %arg19[%swap3A_607, %swap3A_608] {strides = array<i32>} : memref<80x16xf32, #tpu.memory_space<vmem>>, vector<1x16xf32>,
    %swap3A_610 = vector.shape_cast %swap3A_609 : vector<1x16xf32> to vector<16xf32>
    %swap3A_611 = vector.shape_cast %broadcast_in_dim3A_605 : vector<16xf32> to vector<1x16xf32>
    tpu.vector_store %arg19[%swap3A_607, %swap3A_608], %swap3A_611 {strides = array<i32>} : memref<80x16xf32, #tpu.memory_space<vmem>>, vector<1x16xf32>,
    %broadcast_in_dim3A_612 = arith.constant 1.000000e+00 : f32
    %broadcast_in_dim3A_613 = vector.broadcast %broadcast_in_dim3A_612 : f32 to vector<16xf32>
    %swap3A_614 = arith.constant 76 : i32
    %swap3A_615 = arith.index_cast %swap3A_614 : i32 to index
    %swap3A_616 = arith.constant 0 : index
    %swap3A_617 = tpu.vector_load %arg19[%swap3A_615, %swap3A_616] {strides = array<i32>} : memref<80x16xf32, #tpu.memory_space<vmem>>, vector<1x16xf32>,
    %swap3A_618 = vector.shape_cast %swap3A_617 : vector<1x16xf32> to vector<16xf32>
    %swap3A_619 = vector.shape_cast %broadcast_in_dim3A_613 : vector<16xf32> to vector<1x16xf32>
    tpu.vector_store %arg19[%swap3A_615, %swap3A_616], %swap3A_619 {strides = array<i32>} : memref<80x16xf32, #tpu.memory_space<vmem>>, vector<1x16xf32>,
    %broadcast_in_dim3A_620 = arith.constant 1.000000e+00 : f32
    %broadcast_in_dim3A_621 = vector.broadcast %broadcast_in_dim3A_620 : f32 to vector<16xf32>
    %swap3A_622 = arith.constant 77 : i32
    %swap3A_623 = arith.index_cast %swap3A_622 : i32 to index
    %swap3A_624 = arith.constant 0 : index
    %swap3A_625 = tpu.vector_load %arg19[%swap3A_623, %swap3A_624] {strides = array<i32>} : memref<80x16xf32, #tpu.memory_space<vmem>>, vector<1x16xf32>,
    %swap3A_626 = vector.shape_cast %swap3A_625 : vector<1x16xf32> to vector<16xf32>
    %swap3A_627 = vector.shape_cast %broadcast_in_dim3A_621 : vector<16xf32> to vector<1x16xf32>
    tpu.vector_store %arg19[%swap3A_623, %swap3A_624], %swap3A_627 {strides = array<i32>} : memref<80x16xf32, #tpu.memory_space<vmem>>, vector<1x16xf32>,
    %broadcast_in_dim3A_628 = arith.constant 1.000000e+00 : f32
    %broadcast_in_dim3A_629 = vector.broadcast %broadcast_in_dim3A_628 : f32 to vector<16xf32>
    %swap3A_630 = arith.constant 78 : i32
    %swap3A_631 = arith.index_cast %swap3A_630 : i32 to index
    %swap3A_632 = arith.constant 0 : index
    %swap3A_633 = tpu.vector_load %arg19[%swap3A_631, %swap3A_632] {strides = array<i32>} : memref<80x16xf32, #tpu.memory_space<vmem>>, vector<1x16xf32>,
    %swap3A_634 = vector.shape_cast %swap3A_633 : vector<1x16xf32> to vector<16xf32>
    %swap3A_635 = vector.shape_cast %broadcast_in_dim3A_629 : vector<16xf32> to vector<1x16xf32>
    tpu.vector_store %arg19[%swap3A_631, %swap3A_632], %swap3A_635 {strides = array<i32>} : memref<80x16xf32, #tpu.memory_space<vmem>>, vector<1x16xf32>,
    %broadcast_in_dim3A_636 = arith.constant 1.000000e+00 : f32
    %broadcast_in_dim3A_637 = vector.broadcast %broadcast_in_dim3A_636 : f32 to vector<16xf32>
    %swap3A_638 = arith.constant 79 : i32
    %swap3A_639 = arith.index_cast %swap3A_638 : i32 to index
    %swap3A_640 = arith.constant 0 : index
    %swap3A_641 = tpu.vector_load %arg19[%swap3A_639, %swap3A_640] {strides = array<i32>} : memref<80x16xf32, #tpu.memory_space<vmem>>, vector<1x16xf32>,
    %swap3A_642 = vector.shape_cast %swap3A_641 : vector<1x16xf32> to vector<16xf32>
    %swap3A_643 = vector.shape_cast %broadcast_in_dim3A_637 : vector<16xf32> to vector<1x16xf32>
    tpu.vector_store %arg19[%swap3A_639, %swap3A_640], %swap3A_643 {strides = array<i32>} : memref<80x16xf32, #tpu.memory_space<vmem>>, vector<1x16xf32>,
    %barrier3A = arith.constant 0 : index
    tpu.barrier barrier_id(%barrier3A)
    %add3A_644 = arith.constant 0 : i32
    %add3A_645 = arith.addi %multiple_of3A, %add3A_644 : i32
    %multiple_of3A_646 = tpu.assume_multiple %add3A_645, 8 : i32
    %dma_start3A = tpu.memref_slice %arg2[%multiple_of3A_646] : memref<320000xi32, #tpu.memory_space<hbm>> -> memref<80xi32, #tpu.memory_space<hbm>>
    %dma_start3A_647 = tpu.memref_slice %arg2[%multiple_of3A_646] : memref<320000xi32, #tpu.memory_space<hbm>> -> memref<80xi32, #tpu.memory_space<hbm>>
    tpu.enqueue_dma source(%dma_start3A_647 : memref<80xi32, #tpu.memory_space<hbm>>) target(%arg9 : memref<80xi32, #tpu.memory_space<vmem>>) target_semaphore(%arg22 : memref<!tpu.dma_semaphore, #tpu.memory_space<semaphore_mem>>)
    %dma_start3A_648 = tpu.memref_slice %arg3[%multiple_of3A_646] : memref<320000xi32, #tpu.memory_space<hbm>> -> memref<80xi32, #tpu.memory_space<hbm>>
    %dma_start3A_649 = tpu.memref_slice %arg3[%multiple_of3A_646] : memref<320000xi32, #tpu.memory_space<hbm>> -> memref<80xi32, #tpu.memory_space<hbm>>
    tpu.enqueue_dma source(%dma_start3A_649 : memref<80xi32, #tpu.memory_space<hbm>>) target(%arg13 : memref<80xi32, #tpu.memory_space<vmem>>) target_semaphore(%arg22 : memref<!tpu.dma_semaphore, #tpu.memory_space<semaphore_mem>>)
    %add3A_650 = arith.constant 80 : i32
    %add3A_651 = arith.addi %multiple_of3A, %add3A_650 : i32
    %multiple_of3A_652 = tpu.assume_multiple %add3A_651, 8 : i32
    %dma_start3A_653 = tpu.memref_slice %arg2[%multiple_of3A_652] : memref<320000xi32, #tpu.memory_space<hbm>> -> memref<80xi32, #tpu.memory_space<hbm>>
    %dma_start3A_654 = tpu.memref_slice %arg2[%multiple_of3A_652] : memref<320000xi32, #tpu.memory_space<hbm>> -> memref<80xi32, #tpu.memory_space<hbm>>
    tpu.enqueue_dma source(%dma_start3A_654 : memref<80xi32, #tpu.memory_space<hbm>>) target(%arg10 : memref<80xi32, #tpu.memory_space<vmem>>) target_semaphore(%arg23 : memref<!tpu.dma_semaphore, #tpu.memory_space<semaphore_mem>>)
    %dma_start3A_655 = tpu.memref_slice %arg3[%multiple_of3A_652] : memref<320000xi32, #tpu.memory_space<hbm>> -> memref<80xi32, #tpu.memory_space<hbm>>
    %dma_start3A_656 = tpu.memref_slice %arg3[%multiple_of3A_652] : memref<320000xi32, #tpu.memory_space<hbm>> -> memref<80xi32, #tpu.memory_space<hbm>>
    tpu.enqueue_dma source(%dma_start3A_656 : memref<80xi32, #tpu.memory_space<hbm>>) target(%arg14 : memref<80xi32, #tpu.memory_space<vmem>>) target_semaphore(%arg23 : memref<!tpu.dma_semaphore, #tpu.memory_space<semaphore_mem>>)
    %add3A_657 = arith.constant 160 : i32
    %add3A_658 = arith.addi %multiple_of3A, %add3A_657 : i32
    %multiple_of3A_659 = tpu.assume_multiple %add3A_658, 8 : i32
    %dma_start3A_660 = tpu.memref_slice %arg2[%multiple_of3A_659] : memref<320000xi32, #tpu.memory_space<hbm>> -> memref<80xi32, #tpu.memory_space<hbm>>
    %dma_start3A_661 = tpu.memref_slice %arg2[%multiple_of3A_659] : memref<320000xi32, #tpu.memory_space<hbm>> -> memref<80xi32, #tpu.memory_space<hbm>>
    tpu.enqueue_dma source(%dma_start3A_661 : memref<80xi32, #tpu.memory_space<hbm>>) target(%arg11 : memref<80xi32, #tpu.memory_space<vmem>>) target_semaphore(%arg24 : memref<!tpu.dma_semaphore, #tpu.memory_space<semaphore_mem>>)
    %dma_start3A_662 = tpu.memref_slice %arg3[%multiple_of3A_659] : memref<320000xi32, #tpu.memory_space<hbm>> -> memref<80xi32, #tpu.memory_space<hbm>>
    %dma_start3A_663 = tpu.memref_slice %arg3[%multiple_of3A_659] : memref<320000xi32, #tpu.memory_space<hbm>> -> memref<80xi32, #tpu.memory_space<hbm>>
    tpu.enqueue_dma source(%dma_start3A_663 : memref<80xi32, #tpu.memory_space<hbm>>) target(%arg15 : memref<80xi32, #tpu.memory_space<vmem>>) target_semaphore(%arg24 : memref<!tpu.dma_semaphore, #tpu.memory_space<semaphore_mem>>)
    %add3A_664 = arith.constant 240 : i32
    %add3A_665 = arith.addi %multiple_of3A, %add3A_664 : i32
    %multiple_of3A_666 = tpu.assume_multiple %add3A_665, 8 : i32
    %dma_start3A_667 = tpu.memref_slice %arg2[%multiple_of3A_666] : memref<320000xi32, #tpu.memory_space<hbm>> -> memref<80xi32, #tpu.memory_space<hbm>>
    %dma_start3A_668 = tpu.memref_slice %arg2[%multiple_of3A_666] : memref<320000xi32, #tpu.memory_space<hbm>> -> memref<80xi32, #tpu.memory_space<hbm>>
    tpu.enqueue_dma source(%dma_start3A_668 : memref<80xi32, #tpu.memory_space<hbm>>) target(%arg12 : memref<80xi32, #tpu.memory_space<vmem>>) target_semaphore(%arg25 : memref<!tpu.dma_semaphore, #tpu.memory_space<semaphore_mem>>)
    %dma_start3A_669 = tpu.memref_slice %arg3[%multiple_of3A_666] : memref<320000xi32, #tpu.memory_space<hbm>> -> memref<80xi32, #tpu.memory_space<hbm>>
    %dma_start3A_670 = tpu.memref_slice %arg3[%multiple_of3A_666] : memref<320000xi32, #tpu.memory_space<hbm>> -> memref<80xi32, #tpu.memory_space<hbm>>
    tpu.enqueue_dma source(%dma_start3A_670 : memref<80xi32, #tpu.memory_space<hbm>>) target(%arg16 : memref<80xi32, #tpu.memory_space<vmem>>) target_semaphore(%arg25 : memref<!tpu.dma_semaphore, #tpu.memory_space<semaphore_mem>>)
    %add3A_671 = arith.constant 0 : i32
    %add3A_672 = arith.addi %multiple_of3A, %add3A_671 : i32
    %multiple_of3A_673 = tpu.assume_multiple %add3A_672, 8 : i32
    %dma_wait3A = tpu.memref_slice %arg2[%multiple_of3A_673] : memref<320000xi32, #tpu.memory_space<hbm>> -> memref<80xi32, #tpu.memory_space<hbm>>
    %dma_wait3A_674 = tpu.memref_slice %arg2[%multiple_of3A_673] : memref<320000xi32, #tpu.memory_space<hbm>> -> memref<80xi32, #tpu.memory_space<hbm>>
    tpu.wait_dma2 semaphore(%arg22 : memref<!tpu.dma_semaphore, #tpu.memory_space<semaphore_mem>>) src(%dma_wait3A_674 : memref<80xi32, #tpu.memory_space<hbm>>) dst(%arg9 : memref<80xi32, #tpu.memory_space<vmem>>)
    %dma_wait3A_675 = tpu.memref_slice %arg3[%multiple_of3A_673] : memref<320000xi32, #tpu.memory_space<hbm>> -> memref<80xi32, #tpu.memory_space<hbm>>
    %dma_wait3A_676 = tpu.memref_slice %arg3[%multiple_of3A_673] : memref<320000xi32, #tpu.memory_space<hbm>> -> memref<80xi32, #tpu.memory_space<hbm>>
    tpu.wait_dma2 semaphore(%arg22 : memref<!tpu.dma_semaphore, #tpu.memory_space<semaphore_mem>>) src(%dma_wait3A_676 : memref<80xi32, #tpu.memory_space<hbm>>) dst(%arg13 : memref<80xi32, #tpu.memory_space<vmem>>)
    %dma_start3A_677 = arith.constant 0 : i32
    %dma_start3A_678 = arith.constant 0 : i32
    %dma_start3A_679 = tpu.memref_slice %arg4[%dma_start3A_677, %dma_start3A_678] : memref<10000x128xf32, #tpu.memory_space<hbm>> -> memref<10000x128xf32, #tpu.memory_space<hbm>>
    tpu.enqueue_indirect_dma source(%dma_start3A_679 : memref<10000x128xf32, #tpu.memory_space<hbm>>) target(%arg17 : memref<80x128xf32, #tpu.memory_space<vmem>>) offsets(%arg9 : memref<80xi32, #tpu.memory_space<vmem>>) semaphore(%arg26 : memref<!tpu.dma_semaphore, #tpu.memory_space<semaphore_mem>>)
    %scan3A = arith.constant 0 : i32
    %scan3A_680 = arith.constant 30 : i32
    %scan3A_681 = arith.addi %scan3A, %scan3A_680 : i32
    %scan3A_682 = arith.constant 1 : i32
    scf.for %scan3A_807 = %scan3A to %scan3A_681 step %scan3A_682  : i32 {
      %mul3A_808 = arith.constant 4 : i32
      %mul3A_809 = arith.muli %scan3A_807, %mul3A_808 : i32
      %add3A_810 = arith.constant 0 : i32
      %add3A_811 = arith.addi %add3A_810, %mul3A_809 : i32
      %add3A_812 = arith.constant 1 : i32
      %add3A_813 = arith.addi %add3A_811, %add3A_812 : i32
      %mul3A_814 = arith.constant 80 : i32
      %mul3A_815 = arith.muli %add3A_813, %mul3A_814 : i32
      %add3A_816 = arith.addi %multiple_of3A, %mul3A_815 : i32
      %multiple_of3A_817 = tpu.assume_multiple %add3A_816, 8 : i32
      %dma_wait3A_818 = tpu.memref_slice %arg2[%multiple_of3A_817] : memref<320000xi32, #tpu.memory_space<hbm>> -> memref<80xi32, #tpu.memory_space<hbm>>
      %dma_wait3A_819 = tpu.memref_slice %arg2[%multiple_of3A_817] : memref<320000xi32, #tpu.memory_space<hbm>> -> memref<80xi32, #tpu.memory_space<hbm>>
      tpu.wait_dma2 semaphore(%arg23 : memref<!tpu.dma_semaphore, #tpu.memory_space<semaphore_mem>>) src(%dma_wait3A_819 : memref<80xi32, #tpu.memory_space<hbm>>) dst(%arg10 : memref<80xi32, #tpu.memory_space<vmem>>)
      %dma_wait3A_820 = tpu.memref_slice %arg3[%multiple_of3A_817] : memref<320000xi32, #tpu.memory_space<hbm>> -> memref<80xi32, #tpu.memory_space<hbm>>
      %dma_wait3A_821 = tpu.memref_slice %arg3[%multiple_of3A_817] : memref<320000xi32, #tpu.memory_space<hbm>> -> memref<80xi32, #tpu.memory_space<hbm>>
      tpu.wait_dma2 semaphore(%arg23 : memref<!tpu.dma_semaphore, #tpu.memory_space<semaphore_mem>>) src(%dma_wait3A_821 : memref<80xi32, #tpu.memory_space<hbm>>) dst(%arg14 : memref<80xi32, #tpu.memory_space<vmem>>)
      %dma_start3A_822 = arith.constant 0 : i32
      %dma_start3A_823 = arith.constant 0 : i32
      %dma_start3A_824 = tpu.memref_slice %arg4[%dma_start3A_822, %dma_start3A_823] : memref<10000x128xf32, #tpu.memory_space<hbm>> -> memref<10000x128xf32, #tpu.memory_space<hbm>>
      tpu.enqueue_indirect_dma source(%dma_start3A_824 : memref<10000x128xf32, #tpu.memory_space<hbm>>) target(%arg18 : memref<80x128xf32, #tpu.memory_space<vmem>>) offsets(%arg10 : memref<80xi32, #tpu.memory_space<vmem>>) semaphore(%arg27 : memref<!tpu.dma_semaphore, #tpu.memory_space<semaphore_mem>>)
      %dma_wait3A_825 = arith.constant 0 : i32
      %dma_wait3A_826 = arith.constant 0 : i32
      %dma_wait3A_827 = tpu.memref_slice %arg4[%dma_wait3A_825, %dma_wait3A_826] : memref<10000x128xf32, #tpu.memory_space<hbm>> -> memref<10000x128xf32, #tpu.memory_space<hbm>>
      tpu.wait_indirect_dma semaphore(%arg26 : memref<!tpu.dma_semaphore, #tpu.memory_space<semaphore_mem>>) src(%dma_wait3A_827 : memref<10000x128xf32, #tpu.memory_space<hbm>>) dst(%arg17 : memref<80x128xf32, #tpu.memory_space<vmem>>)
      %dma_start3A_828 = arith.constant 0 : i32
      %dma_start3A_829 = arith.constant 0 : i32
      %dma_start3A_830 = tpu.memref_slice %arg20[%dma_start3A_828, %dma_start3A_829] : memref<10240x128xf32, #tpu.memory_space<vmem_shared>> -> memref<10240x128xf32, #tpu.memory_space<vmem_shared>>
      tpu.enqueue_indirect_dma source(%arg17 : memref<80x128xf32, #tpu.memory_space<vmem>>) target(%dma_start3A_830 : memref<10240x128xf32, #tpu.memory_space<vmem_shared>>) offsets(%arg13 : memref<80xi32, #tpu.memory_space<vmem>>) semaphore(%arg28 : memref<!tpu.dma_semaphore, #tpu.memory_space<semaphore_mem>>) {add = true}
      %dma_start3A_831 = arith.constant 0 : i32
      %dma_start3A_832 = arith.constant 0 : i32
      %dma_start3A_833 = tpu.memref_slice %arg21[%dma_start3A_831, %dma_start3A_832] : memref<10240x16xf32, #tpu.memory_space<vmem_shared>> -> memref<10240x16xf32, #tpu.memory_space<vmem_shared>>
      tpu.enqueue_indirect_dma source(%arg19 : memref<80x16xf32, #tpu.memory_space<vmem>>) target(%dma_start3A_833 : memref<10240x16xf32, #tpu.memory_space<vmem_shared>>) offsets(%arg13 : memref<80xi32, #tpu.memory_space<vmem>>) semaphore(%arg28 : memref<!tpu.dma_semaphore, #tpu.memory_space<semaphore_mem>>) {add = true}
      %dma_wait3A_834 = arith.constant 0 : i32
      %dma_wait3A_835 = arith.constant 0 : i32
      %dma_wait3A_836 = tpu.memref_slice %arg20[%dma_wait3A_834, %dma_wait3A_835] : memref<10240x128xf32, #tpu.memory_space<vmem_shared>> -> memref<10240x128xf32, #tpu.memory_space<vmem_shared>>
      tpu.wait_indirect_dma semaphore(%arg28 : memref<!tpu.dma_semaphore, #tpu.memory_space<semaphore_mem>>) src(%arg17 : memref<80x128xf32, #tpu.memory_space<vmem>>) dst(%dma_wait3A_836 : memref<10240x128xf32, #tpu.memory_space<vmem_shared>>)
      %dma_wait3A_837 = arith.constant 0 : i32
      %dma_wait3A_838 = arith.constant 0 : i32
      %dma_wait3A_839 = tpu.memref_slice %arg21[%dma_wait3A_837, %dma_wait3A_838] : memref<10240x16xf32, #tpu.memory_space<vmem_shared>> -> memref<10240x16xf32, #tpu.memory_space<vmem_shared>>
      tpu.wait_indirect_dma semaphore(%arg28 : memref<!tpu.dma_semaphore, #tpu.memory_space<semaphore_mem>>) src(%arg19 : memref<80x16xf32, #tpu.memory_space<vmem>>) dst(%dma_wait3A_839 : memref<10240x16xf32, #tpu.memory_space<vmem_shared>>)
      %add3A_840 = arith.constant 4 : i32
      %add3A_841 = arith.addi %add3A_811, %add3A_840 : i32
      %mul3A_842 = arith.constant 80 : i32
      %mul3A_843 = arith.muli %add3A_841, %mul3A_842 : i32
      %add3A_844 = arith.addi %multiple_of3A, %mul3A_843 : i32
      %multiple_of3A_845 = tpu.assume_multiple %add3A_844, 8 : i32
      %dma_start3A_846 = tpu.memref_slice %arg2[%multiple_of3A_845] : memref<320000xi32, #tpu.memory_space<hbm>> -> memref<80xi32, #tpu.memory_space<hbm>>
      %dma_start3A_847 = tpu.memref_slice %arg2[%multiple_of3A_845] : memref<320000xi32, #tpu.memory_space<hbm>> -> memref<80xi32, #tpu.memory_space<hbm>>
      tpu.enqueue_dma source(%dma_start3A_847 : memref<80xi32, #tpu.memory_space<hbm>>) target(%arg9 : memref<80xi32, #tpu.memory_space<vmem>>) target_semaphore(%arg22 : memref<!tpu.dma_semaphore, #tpu.memory_space<semaphore_mem>>)
      %dma_start3A_848 = tpu.memref_slice %arg3[%multiple_of3A_845] : memref<320000xi32, #tpu.memory_space<hbm>> -> memref<80xi32, #tpu.memory_space<hbm>>
      %dma_start3A_849 = tpu.memref_slice %arg3[%multiple_of3A_845] : memref<320000xi32, #tpu.memory_space<hbm>> -> memref<80xi32, #tpu.memory_space<hbm>>
      tpu.enqueue_dma source(%dma_start3A_849 : memref<80xi32, #tpu.memory_space<hbm>>) target(%arg13 : memref<80xi32, #tpu.memory_space<vmem>>) target_semaphore(%arg22 : memref<!tpu.dma_semaphore, #tpu.memory_space<semaphore_mem>>)
      %add3A_850 = arith.constant 2 : i32
      %add3A_851 = arith.addi %add3A_811, %add3A_850 : i32
      %mul3A_852 = arith.constant 80 : i32
      %mul3A_853 = arith.muli %add3A_851, %mul3A_852 : i32
      %add3A_854 = arith.addi %multiple_of3A, %mul3A_853 : i32
      %multiple_of3A_855 = tpu.assume_multiple %add3A_854, 8 : i32
      %dma_wait3A_856 = tpu.memref_slice %arg2[%multiple_of3A_855] : memref<320000xi32, #tpu.memory_space<hbm>> -> memref<80xi32, #tpu.memory_space<hbm>>
      %dma_wait3A_857 = tpu.memref_slice %arg2[%multiple_of3A_855] : memref<320000xi32, #tpu.memory_space<hbm>> -> memref<80xi32, #tpu.memory_space<hbm>>
      tpu.wait_dma2 semaphore(%arg24 : memref<!tpu.dma_semaphore, #tpu.memory_space<semaphore_mem>>) src(%dma_wait3A_857 : memref<80xi32, #tpu.memory_space<hbm>>) dst(%arg11 : memref<80xi32, #tpu.memory_space<vmem>>)
      %dma_wait3A_858 = tpu.memref_slice %arg3[%multiple_of3A_855] : memref<320000xi32, #tpu.memory_space<hbm>> -> memref<80xi32, #tpu.memory_space<hbm>>
      %dma_wait3A_859 = tpu.memref_slice %arg3[%multiple_of3A_855] : memref<320000xi32, #tpu.memory_space<hbm>> -> memref<80xi32, #tpu.memory_space<hbm>>
      tpu.wait_dma2 semaphore(%arg24 : memref<!tpu.dma_semaphore, #tpu.memory_space<semaphore_mem>>) src(%dma_wait3A_859 : memref<80xi32, #tpu.memory_space<hbm>>) dst(%arg15 : memref<80xi32, #tpu.memory_space<vmem>>)
      %dma_start3A_860 = arith.constant 0 : i32
      %dma_start3A_861 = arith.constant 0 : i32
      %dma_start3A_862 = tpu.memref_slice %arg4[%dma_start3A_860, %dma_start3A_861] : memref<10000x128xf32, #tpu.memory_space<hbm>> -> memref<10000x128xf32, #tpu.memory_space<hbm>>
      tpu.enqueue_indirect_dma source(%dma_start3A_862 : memref<10000x128xf32, #tpu.memory_space<hbm>>) target(%arg17 : memref<80x128xf32, #tpu.memory_space<vmem>>) offsets(%arg11 : memref<80xi32, #tpu.memory_space<vmem>>) semaphore(%arg26 : memref<!tpu.dma_semaphore, #tpu.memory_space<semaphore_mem>>)
      %add3A_863 = arith.constant 1 : i32
      %add3A_864 = arith.addi %add3A_811, %add3A_863 : i32
      %dma_wait3A_865 = arith.constant 0 : i32
      %dma_wait3A_866 = arith.constant 0 : i32
      %dma_wait3A_867 = tpu.memref_slice %arg4[%dma_wait3A_865, %dma_wait3A_866] : memref<10000x128xf32, #tpu.memory_space<hbm>> -> memref<10000x128xf32, #tpu.memory_space<hbm>>
      tpu.wait_indirect_dma semaphore(%arg27 : memref<!tpu.dma_semaphore, #tpu.memory_space<semaphore_mem>>) src(%dma_wait3A_867 : memref<10000x128xf32, #tpu.memory_space<hbm>>) dst(%arg18 : memref<80x128xf32, #tpu.memory_space<vmem>>)
      %dma_start3A_868 = arith.constant 0 : i32
      %dma_start3A_869 = arith.constant 0 : i32
      %dma_start3A_870 = tpu.memref_slice %arg20[%dma_start3A_868, %dma_start3A_869] : memref<10240x128xf32, #tpu.memory_space<vmem_shared>> -> memref<10240x128xf32, #tpu.memory_space<vmem_shared>>
      tpu.enqueue_indirect_dma source(%arg18 : memref<80x128xf32, #tpu.memory_space<vmem>>) target(%dma_start3A_870 : memref<10240x128xf32, #tpu.memory_space<vmem_shared>>) offsets(%arg14 : memref<80xi32, #tpu.memory_space<vmem>>) semaphore(%arg28 : memref<!tpu.dma_semaphore, #tpu.memory_space<semaphore_mem>>) {add = true}
      %dma_start3A_871 = arith.constant 0 : i32
      %dma_start3A_872 = arith.constant 0 : i32
      %dma_start3A_873 = tpu.memref_slice %arg21[%dma_start3A_871, %dma_start3A_872] : memref<10240x16xf32, #tpu.memory_space<vmem_shared>> -> memref<10240x16xf32, #tpu.memory_space<vmem_shared>>
      tpu.enqueue_indirect_dma source(%arg19 : memref<80x16xf32, #tpu.memory_space<vmem>>) target(%dma_start3A_873 : memref<10240x16xf32, #tpu.memory_space<vmem_shared>>) offsets(%arg14 : memref<80xi32, #tpu.memory_space<vmem>>) semaphore(%arg28 : memref<!tpu.dma_semaphore, #tpu.memory_space<semaphore_mem>>) {add = true}
      %dma_wait3A_874 = arith.constant 0 : i32
      %dma_wait3A_875 = arith.constant 0 : i32
      %dma_wait3A_876 = tpu.memref_slice %arg20[%dma_wait3A_874, %dma_wait3A_875] : memref<10240x128xf32, #tpu.memory_space<vmem_shared>> -> memref<10240x128xf32, #tpu.memory_space<vmem_shared>>
      tpu.wait_indirect_dma semaphore(%arg28 : memref<!tpu.dma_semaphore, #tpu.memory_space<semaphore_mem>>) src(%arg18 : memref<80x128xf32, #tpu.memory_space<vmem>>) dst(%dma_wait3A_876 : memref<10240x128xf32, #tpu.memory_space<vmem_shared>>)
      %dma_wait3A_877 = arith.constant 0 : i32
      %dma_wait3A_878 = arith.constant 0 : i32
      %dma_wait3A_879 = tpu.memref_slice %arg21[%dma_wait3A_877, %dma_wait3A_878] : memref<10240x16xf32, #tpu.memory_space<vmem_shared>> -> memref<10240x16xf32, #tpu.memory_space<vmem_shared>>
      tpu.wait_indirect_dma semaphore(%arg28 : memref<!tpu.dma_semaphore, #tpu.memory_space<semaphore_mem>>) src(%arg19 : memref<80x16xf32, #tpu.memory_space<vmem>>) dst(%dma_wait3A_879 : memref<10240x16xf32, #tpu.memory_space<vmem_shared>>)
      %add3A_880 = arith.constant 5 : i32
      %add3A_881 = arith.addi %add3A_811, %add3A_880 : i32
      %mul3A_882 = arith.constant 80 : i32
      %mul3A_883 = arith.muli %add3A_881, %mul3A_882 : i32
      %add3A_884 = arith.addi %multiple_of3A, %mul3A_883 : i32
      %multiple_of3A_885 = tpu.assume_multiple %add3A_884, 8 : i32
      %dma_start3A_886 = tpu.memref_slice %arg2[%multiple_of3A_885] : memref<320000xi32, #tpu.memory_space<hbm>> -> memref<80xi32, #tpu.memory_space<hbm>>
      %dma_start3A_887 = tpu.memref_slice %arg2[%multiple_of3A_885] : memref<320000xi32, #tpu.memory_space<hbm>> -> memref<80xi32, #tpu.memory_space<hbm>>
      tpu.enqueue_dma source(%dma_start3A_887 : memref<80xi32, #tpu.memory_space<hbm>>) target(%arg10 : memref<80xi32, #tpu.memory_space<vmem>>) target_semaphore(%arg23 : memref<!tpu.dma_semaphore, #tpu.memory_space<semaphore_mem>>)
      %dma_start3A_888 = tpu.memref_slice %arg3[%multiple_of3A_885] : memref<320000xi32, #tpu.memory_space<hbm>> -> memref<80xi32, #tpu.memory_space<hbm>>
      %dma_start3A_889 = tpu.memref_slice %arg3[%multiple_of3A_885] : memref<320000xi32, #tpu.memory_space<hbm>> -> memref<80xi32, #tpu.memory_space<hbm>>
      tpu.enqueue_dma source(%dma_start3A_889 : memref<80xi32, #tpu.memory_space<hbm>>) target(%arg14 : memref<80xi32, #tpu.memory_space<vmem>>) target_semaphore(%arg23 : memref<!tpu.dma_semaphore, #tpu.memory_space<semaphore_mem>>)
      %add3A_890 = arith.constant 3 : i32
      %add3A_891 = arith.addi %add3A_811, %add3A_890 : i32
      %mul3A_892 = arith.constant 80 : i32
      %mul3A_893 = arith.muli %add3A_891, %mul3A_892 : i32
      %add3A_894 = arith.addi %multiple_of3A, %mul3A_893 : i32
      %multiple_of3A_895 = tpu.assume_multiple %add3A_894, 8 : i32
      %dma_wait3A_896 = tpu.memref_slice %arg2[%multiple_of3A_895] : memref<320000xi32, #tpu.memory_space<hbm>> -> memref<80xi32, #tpu.memory_space<hbm>>
      %dma_wait3A_897 = tpu.memref_slice %arg2[%multiple_of3A_895] : memref<320000xi32, #tpu.memory_space<hbm>> -> memref<80xi32, #tpu.memory_space<hbm>>
      tpu.wait_dma2 semaphore(%arg25 : memref<!tpu.dma_semaphore, #tpu.memory_space<semaphore_mem>>) src(%dma_wait3A_897 : memref<80xi32, #tpu.memory_space<hbm>>) dst(%arg12 : memref<80xi32, #tpu.memory_space<vmem>>)
      %dma_wait3A_898 = tpu.memref_slice %arg3[%multiple_of3A_895] : memref<320000xi32, #tpu.memory_space<hbm>> -> memref<80xi32, #tpu.memory_space<hbm>>
      %dma_wait3A_899 = tpu.memref_slice %arg3[%multiple_of3A_895] : memref<320000xi32, #tpu.memory_space<hbm>> -> memref<80xi32, #tpu.memory_space<hbm>>
      tpu.wait_dma2 semaphore(%arg25 : memref<!tpu.dma_semaphore, #tpu.memory_space<semaphore_mem>>) src(%dma_wait3A_899 : memref<80xi32, #tpu.memory_space<hbm>>) dst(%arg16 : memref<80xi32, #tpu.memory_space<vmem>>)
      %dma_start3A_900 = arith.constant 0 : i32
      %dma_start3A_901 = arith.constant 0 : i32
      %dma_start3A_902 = tpu.memref_slice %arg4[%dma_start3A_900, %dma_start3A_901] : memref<10000x128xf32, #tpu.memory_space<hbm>> -> memref<10000x128xf32, #tpu.memory_space<hbm>>
      tpu.enqueue_indirect_dma source(%dma_start3A_902 : memref<10000x128xf32, #tpu.memory_space<hbm>>) target(%arg18 : memref<80x128xf32, #tpu.memory_space<vmem>>) offsets(%arg12 : memref<80xi32, #tpu.memory_space<vmem>>) semaphore(%arg27 : memref<!tpu.dma_semaphore, #tpu.memory_space<semaphore_mem>>)
      %add3A_903 = arith.constant 2 : i32
      %add3A_904 = arith.addi %add3A_811, %add3A_903 : i32
      %dma_wait3A_905 = arith.constant 0 : i32
      %dma_wait3A_906 = arith.constant 0 : i32
      %dma_wait3A_907 = tpu.memref_slice %arg4[%dma_wait3A_905, %dma_wait3A_906] : memref<10000x128xf32, #tpu.memory_space<hbm>> -> memref<10000x128xf32, #tpu.memory_space<hbm>>
      tpu.wait_indirect_dma semaphore(%arg26 : memref<!tpu.dma_semaphore, #tpu.memory_space<semaphore_mem>>) src(%dma_wait3A_907 : memref<10000x128xf32, #tpu.memory_space<hbm>>) dst(%arg17 : memref<80x128xf32, #tpu.memory_space<vmem>>)
      %dma_start3A_908 = arith.constant 0 : i32
      %dma_start3A_909 = arith.constant 0 : i32
      %dma_start3A_910 = tpu.memref_slice %arg20[%dma_start3A_908, %dma_start3A_909] : memref<10240x128xf32, #tpu.memory_space<vmem_shared>> -> memref<10240x128xf32, #tpu.memory_space<vmem_shared>>
      tpu.enqueue_indirect_dma source(%arg17 : memref<80x128xf32, #tpu.memory_space<vmem>>) target(%dma_start3A_910 : memref<10240x128xf32, #tpu.memory_space<vmem_shared>>) offsets(%arg15 : memref<80xi32, #tpu.memory_space<vmem>>) semaphore(%arg28 : memref<!tpu.dma_semaphore, #tpu.memory_space<semaphore_mem>>) {add = true}
      %dma_start3A_911 = arith.constant 0 : i32
      %dma_start3A_912 = arith.constant 0 : i32
      %dma_start3A_913 = tpu.memref_slice %arg21[%dma_start3A_911, %dma_start3A_912] : memref<10240x16xf32, #tpu.memory_space<vmem_shared>> -> memref<10240x16xf32, #tpu.memory_space<vmem_shared>>
      tpu.enqueue_indirect_dma source(%arg19 : memref<80x16xf32, #tpu.memory_space<vmem>>) target(%dma_start3A_913 : memref<10240x16xf32, #tpu.memory_space<vmem_shared>>) offsets(%arg15 : memref<80xi32, #tpu.memory_space<vmem>>) semaphore(%arg28 : memref<!tpu.dma_semaphore, #tpu.memory_space<semaphore_mem>>) {add = true}
      %dma_wait3A_914 = arith.constant 0 : i32
      %dma_wait3A_915 = arith.constant 0 : i32
      %dma_wait3A_916 = tpu.memref_slice %arg20[%dma_wait3A_914, %dma_wait3A_915] : memref<10240x128xf32, #tpu.memory_space<vmem_shared>> -> memref<10240x128xf32, #tpu.memory_space<vmem_shared>>
      tpu.wait_indirect_dma semaphore(%arg28 : memref<!tpu.dma_semaphore, #tpu.memory_space<semaphore_mem>>) src(%arg17 : memref<80x128xf32, #tpu.memory_space<vmem>>) dst(%dma_wait3A_916 : memref<10240x128xf32, #tpu.memory_space<vmem_shared>>)
      %dma_wait3A_917 = arith.constant 0 : i32
      %dma_wait3A_918 = arith.constant 0 : i32
      %dma_wait3A_919 = tpu.memref_slice %arg21[%dma_wait3A_917, %dma_wait3A_918] : memref<10240x16xf32, #tpu.memory_space<vmem_shared>> -> memref<10240x16xf32, #tpu.memory_space<vmem_shared>>
      tpu.wait_indirect_dma semaphore(%arg28 : memref<!tpu.dma_semaphore, #tpu.memory_space<semaphore_mem>>) src(%arg19 : memref<80x16xf32, #tpu.memory_space<vmem>>) dst(%dma_wait3A_919 : memref<10240x16xf32, #tpu.memory_space<vmem_shared>>)
      %add3A_920 = arith.constant 6 : i32
      %add3A_921 = arith.addi %add3A_811, %add3A_920 : i32
      %mul3A_922 = arith.constant 80 : i32
      %mul3A_923 = arith.muli %add3A_921, %mul3A_922 : i32
      %add3A_924 = arith.addi %multiple_of3A, %mul3A_923 : i32
      %multiple_of3A_925 = tpu.assume_multiple %add3A_924, 8 : i32
      %dma_start3A_926 = tpu.memref_slice %arg2[%multiple_of3A_925] : memref<320000xi32, #tpu.memory_space<hbm>> -> memref<80xi32, #tpu.memory_space<hbm>>
      %dma_start3A_927 = tpu.memref_slice %arg2[%multiple_of3A_925] : memref<320000xi32, #tpu.memory_space<hbm>> -> memref<80xi32, #tpu.memory_space<hbm>>
      tpu.enqueue_dma source(%dma_start3A_927 : memref<80xi32, #tpu.memory_space<hbm>>) target(%arg11 : memref<80xi32, #tpu.memory_space<vmem>>) target_semaphore(%arg24 : memref<!tpu.dma_semaphore, #tpu.memory_space<semaphore_mem>>)
      %dma_start3A_928 = tpu.memref_slice %arg3[%multiple_of3A_925] : memref<320000xi32, #tpu.memory_space<hbm>> -> memref<80xi32, #tpu.memory_space<hbm>>
      %dma_start3A_929 = tpu.memref_slice %arg3[%multiple_of3A_925] : memref<320000xi32, #tpu.memory_space<hbm>> -> memref<80xi32, #tpu.memory_space<hbm>>
      tpu.enqueue_dma source(%dma_start3A_929 : memref<80xi32, #tpu.memory_space<hbm>>) target(%arg15 : memref<80xi32, #tpu.memory_space<vmem>>) target_semaphore(%arg24 : memref<!tpu.dma_semaphore, #tpu.memory_space<semaphore_mem>>)
      %add3A_930 = arith.constant 4 : i32
      %add3A_931 = arith.addi %add3A_811, %add3A_930 : i32
      %mul3A_932 = arith.constant 80 : i32
      %mul3A_933 = arith.muli %add3A_931, %mul3A_932 : i32
      %add3A_934 = arith.addi %multiple_of3A, %mul3A_933 : i32
      %multiple_of3A_935 = tpu.assume_multiple %add3A_934, 8 : i32
      %dma_wait3A_936 = tpu.memref_slice %arg2[%multiple_of3A_935] : memref<320000xi32, #tpu.memory_space<hbm>> -> memref<80xi32, #tpu.memory_space<hbm>>
      %dma_wait3A_937 = tpu.memref_slice %arg2[%multiple_of3A_935] : memref<320000xi32, #tpu.memory_space<hbm>> -> memref<80xi32, #tpu.memory_space<hbm>>
      tpu.wait_dma2 semaphore(%arg22 : memref<!tpu.dma_semaphore, #tpu.memory_space<semaphore_mem>>) src(%dma_wait3A_937 : memref<80xi32, #tpu.memory_space<hbm>>) dst(%arg9 : memref<80xi32, #tpu.memory_space<vmem>>)
      %dma_wait3A_938 = tpu.memref_slice %arg3[%multiple_of3A_935] : memref<320000xi32, #tpu.memory_space<hbm>> -> memref<80xi32, #tpu.memory_space<hbm>>
      %dma_wait3A_939 = tpu.memref_slice %arg3[%multiple_of3A_935] : memref<320000xi32, #tpu.memory_space<hbm>> -> memref<80xi32, #tpu.memory_space<hbm>>
      tpu.wait_dma2 semaphore(%arg22 : memref<!tpu.dma_semaphore, #tpu.memory_space<semaphore_mem>>) src(%dma_wait3A_939 : memref<80xi32, #tpu.memory_space<hbm>>) dst(%arg13 : memref<80xi32, #tpu.memory_space<vmem>>)
      %dma_start3A_940 = arith.constant 0 : i32
      %dma_start3A_941 = arith.constant 0 : i32
      %dma_start3A_942 = tpu.memref_slice %arg4[%dma_start3A_940, %dma_start3A_941] : memref<10000x128xf32, #tpu.memory_space<hbm>> -> memref<10000x128xf32, #tpu.memory_space<hbm>>
      tpu.enqueue_indirect_dma source(%dma_start3A_942 : memref<10000x128xf32, #tpu.memory_space<hbm>>) target(%arg17 : memref<80x128xf32, #tpu.memory_space<vmem>>) offsets(%arg9 : memref<80xi32, #tpu.memory_space<vmem>>) semaphore(%arg26 : memref<!tpu.dma_semaphore, #tpu.memory_space<semaphore_mem>>)
      %add3A_943 = arith.constant 3 : i32
      %add3A_944 = arith.addi %add3A_811, %add3A_943 : i32
      %dma_wait3A_945 = arith.constant 0 : i32
      %dma_wait3A_946 = arith.constant 0 : i32
      %dma_wait3A_947 = tpu.memref_slice %arg4[%dma_wait3A_945, %dma_wait3A_946] : memref<10000x128xf32, #tpu.memory_space<hbm>> -> memref<10000x128xf32, #tpu.memory_space<hbm>>
      tpu.wait_indirect_dma semaphore(%arg27 : memref<!tpu.dma_semaphore, #tpu.memory_space<semaphore_mem>>) src(%dma_wait3A_947 : memref<10000x128xf32, #tpu.memory_space<hbm>>) dst(%arg18 : memref<80x128xf32, #tpu.memory_space<vmem>>)
      %dma_start3A_948 = arith.constant 0 : i32
      %dma_start3A_949 = arith.constant 0 : i32
      %dma_start3A_950 = tpu.memref_slice %arg20[%dma_start3A_948, %dma_start3A_949] : memref<10240x128xf32, #tpu.memory_space<vmem_shared>> -> memref<10240x128xf32, #tpu.memory_space<vmem_shared>>
      tpu.enqueue_indirect_dma source(%arg18 : memref<80x128xf32, #tpu.memory_space<vmem>>) target(%dma_start3A_950 : memref<10240x128xf32, #tpu.memory_space<vmem_shared>>) offsets(%arg16 : memref<80xi32, #tpu.memory_space<vmem>>) semaphore(%arg28 : memref<!tpu.dma_semaphore, #tpu.memory_space<semaphore_mem>>) {add = true}
      %dma_start3A_951 = arith.constant 0 : i32
      %dma_start3A_952 = arith.constant 0 : i32
      %dma_start3A_953 = tpu.memref_slice %arg21[%dma_start3A_951, %dma_start3A_952] : memref<10240x16xf32, #tpu.memory_space<vmem_shared>> -> memref<10240x16xf32, #tpu.memory_space<vmem_shared>>
      tpu.enqueue_indirect_dma source(%arg19 : memref<80x16xf32, #tpu.memory_space<vmem>>) target(%dma_start3A_953 : memref<10240x16xf32, #tpu.memory_space<vmem_shared>>) offsets(%arg16 : memref<80xi32, #tpu.memory_space<vmem>>) semaphore(%arg28 : memref<!tpu.dma_semaphore, #tpu.memory_space<semaphore_mem>>) {add = true}
      %dma_wait3A_954 = arith.constant 0 : i32
      %dma_wait3A_955 = arith.constant 0 : i32
      %dma_wait3A_956 = tpu.memref_slice %arg20[%dma_wait3A_954, %dma_wait3A_955] : memref<10240x128xf32, #tpu.memory_space<vmem_shared>> -> memref<10240x128xf32, #tpu.memory_space<vmem_shared>>
      tpu.wait_indirect_dma semaphore(%arg28 : memref<!tpu.dma_semaphore, #tpu.memory_space<semaphore_mem>>) src(%arg18 : memref<80x128xf32, #tpu.memory_space<vmem>>) dst(%dma_wait3A_956 : memref<10240x128xf32, #tpu.memory_space<vmem_shared>>)
      %dma_wait3A_957 = arith.constant 0 : i32
      %dma_wait3A_958 = arith.constant 0 : i32
      %dma_wait3A_959 = tpu.memref_slice %arg21[%dma_wait3A_957, %dma_wait3A_958] : memref<10240x16xf32, #tpu.memory_space<vmem_shared>> -> memref<10240x16xf32, #tpu.memory_space<vmem_shared>>
      tpu.wait_indirect_dma semaphore(%arg28 : memref<!tpu.dma_semaphore, #tpu.memory_space<semaphore_mem>>) src(%arg19 : memref<80x16xf32, #tpu.memory_space<vmem>>) dst(%dma_wait3A_959 : memref<10240x16xf32, #tpu.memory_space<vmem_shared>>)
      %add3A_960 = arith.constant 7 : i32
      %add3A_961 = arith.addi %add3A_811, %add3A_960 : i32
      %mul3A_962 = arith.constant 80 : i32
      %mul3A_963 = arith.muli %add3A_961, %mul3A_962 : i32
      %add3A_964 = arith.addi %multiple_of3A, %mul3A_963 : i32
      %multiple_of3A_965 = tpu.assume_multiple %add3A_964, 8 : i32
      %dma_start3A_966 = tpu.memref_slice %arg2[%multiple_of3A_965] : memref<320000xi32, #tpu.memory_space<hbm>> -> memref<80xi32, #tpu.memory_space<hbm>>
      %dma_start3A_967 = tpu.memref_slice %arg2[%multiple_of3A_965] : memref<320000xi32, #tpu.memory_space<hbm>> -> memref<80xi32, #tpu.memory_space<hbm>>
      tpu.enqueue_dma source(%dma_start3A_967 : memref<80xi32, #tpu.memory_space<hbm>>) target(%arg12 : memref<80xi32, #tpu.memory_space<vmem>>) target_semaphore(%arg25 : memref<!tpu.dma_semaphore, #tpu.memory_space<semaphore_mem>>)
      %dma_start3A_968 = tpu.memref_slice %arg3[%multiple_of3A_965] : memref<320000xi32, #tpu.memory_space<hbm>> -> memref<80xi32, #tpu.memory_space<hbm>>
      %dma_start3A_969 = tpu.memref_slice %arg3[%multiple_of3A_965] : memref<320000xi32, #tpu.memory_space<hbm>> -> memref<80xi32, #tpu.memory_space<hbm>>
      tpu.enqueue_dma source(%dma_start3A_969 : memref<80xi32, #tpu.memory_space<hbm>>) target(%arg16 : memref<80xi32, #tpu.memory_space<vmem>>) target_semaphore(%arg25 : memref<!tpu.dma_semaphore, #tpu.memory_space<semaphore_mem>>)
    }
    %scan3A_683 = arith.constant 30 : i32
    %add3A_684 = arith.constant 9680 : i32
    %add3A_685 = arith.addi %multiple_of3A, %add3A_684 : i32
    %multiple_of3A_686 = tpu.assume_multiple %add3A_685, 8 : i32
    %dma_wait3A_687 = tpu.memref_slice %arg2[%multiple_of3A_686] : memref<320000xi32, #tpu.memory_space<hbm>> -> memref<80xi32, #tpu.memory_space<hbm>>
    %dma_wait3A_688 = tpu.memref_slice %arg2[%multiple_of3A_686] : memref<320000xi32, #tpu.memory_space<hbm>> -> memref<80xi32, #tpu.memory_space<hbm>>
    tpu.wait_dma2 semaphore(%arg23 : memref<!tpu.dma_semaphore, #tpu.memory_space<semaphore_mem>>) src(%dma_wait3A_688 : memref<80xi32, #tpu.memory_space<hbm>>) dst(%arg10 : memref<80xi32, #tpu.memory_space<vmem>>)
    %dma_wait3A_689 = tpu.memref_slice %arg3[%multiple_of3A_686] : memref<320000xi32, #tpu.memory_space<hbm>> -> memref<80xi32, #tpu.memory_space<hbm>>
    %dma_wait3A_690 = tpu.memref_slice %arg3[%multiple_of3A_686] : memref<320000xi32, #tpu.memory_space<hbm>> -> memref<80xi32, #tpu.memory_space<hbm>>
    tpu.wait_dma2 semaphore(%arg23 : memref<!tpu.dma_semaphore, #tpu.memory_space<semaphore_mem>>) src(%dma_wait3A_690 : memref<80xi32, #tpu.memory_space<hbm>>) dst(%arg14 : memref<80xi32, #tpu.memory_space<vmem>>)
    %dma_start3A_691 = arith.constant 0 : i32
    %dma_start3A_692 = arith.constant 0 : i32
    %dma_start3A_693 = tpu.memref_slice %arg4[%dma_start3A_691, %dma_start3A_692] : memref<10000x128xf32, #tpu.memory_space<hbm>> -> memref<10000x128xf32, #tpu.memory_space<hbm>>
    tpu.enqueue_indirect_dma source(%dma_start3A_693 : memref<10000x128xf32, #tpu.memory_space<hbm>>) target(%arg18 : memref<80x128xf32, #tpu.memory_space<vmem>>) offsets(%arg10 : memref<80xi32, #tpu.memory_space<vmem>>) semaphore(%arg27 : memref<!tpu.dma_semaphore, #tpu.memory_space<semaphore_mem>>)
    %dma_wait3A_694 = arith.constant 0 : i32
    %dma_wait3A_695 = arith.constant 0 : i32
    %dma_wait3A_696 = tpu.memref_slice %arg4[%dma_wait3A_694, %dma_wait3A_695] : memref<10000x128xf32, #tpu.memory_space<hbm>> -> memref<10000x128xf32, #tpu.memory_space<hbm>>
    tpu.wait_indirect_dma semaphore(%arg26 : memref<!tpu.dma_semaphore, #tpu.memory_space<semaphore_mem>>) src(%dma_wait3A_696 : memref<10000x128xf32, #tpu.memory_space<hbm>>) dst(%arg17 : memref<80x128xf32, #tpu.memory_space<vmem>>)
    %dma_start3A_697 = arith.constant 0 : i32
    %dma_start3A_698 = arith.constant 0 : i32
    %dma_start3A_699 = tpu.memref_slice %arg20[%dma_start3A_697, %dma_start3A_698] : memref<10240x128xf32, #tpu.memory_space<vmem_shared>> -> memref<10240x128xf32, #tpu.memory_space<vmem_shared>>
    tpu.enqueue_indirect_dma source(%arg17 : memref<80x128xf32, #tpu.memory_space<vmem>>) target(%dma_start3A_699 : memref<10240x128xf32, #tpu.memory_space<vmem_shared>>) offsets(%arg13 : memref<80xi32, #tpu.memory_space<vmem>>) semaphore(%arg28 : memref<!tpu.dma_semaphore, #tpu.memory_space<semaphore_mem>>) {add = true}
    %dma_start3A_700 = arith.constant 0 : i32
    %dma_start3A_701 = arith.constant 0 : i32
    %dma_start3A_702 = tpu.memref_slice %arg21[%dma_start3A_700, %dma_start3A_701] : memref<10240x16xf32, #tpu.memory_space<vmem_shared>> -> memref<10240x16xf32, #tpu.memory_space<vmem_shared>>
    tpu.enqueue_indirect_dma source(%arg19 : memref<80x16xf32, #tpu.memory_space<vmem>>) target(%dma_start3A_702 : memref<10240x16xf32, #tpu.memory_space<vmem_shared>>) offsets(%arg13 : memref<80xi32, #tpu.memory_space<vmem>>) semaphore(%arg28 : memref<!tpu.dma_semaphore, #tpu.memory_space<semaphore_mem>>) {add = true}
    %dma_wait3A_703 = arith.constant 0 : i32
    %dma_wait3A_704 = arith.constant 0 : i32
    %dma_wait3A_705 = tpu.memref_slice %arg20[%dma_wait3A_703, %dma_wait3A_704] : memref<10240x128xf32, #tpu.memory_space<vmem_shared>> -> memref<10240x128xf32, #tpu.memory_space<vmem_shared>>
    tpu.wait_indirect_dma semaphore(%arg28 : memref<!tpu.dma_semaphore, #tpu.memory_space<semaphore_mem>>) src(%arg17 : memref<80x128xf32, #tpu.memory_space<vmem>>) dst(%dma_wait3A_705 : memref<10240x128xf32, #tpu.memory_space<vmem_shared>>)
    %dma_wait3A_706 = arith.constant 0 : i32
    %dma_wait3A_707 = arith.constant 0 : i32
    %dma_wait3A_708 = tpu.memref_slice %arg21[%dma_wait3A_706, %dma_wait3A_707] : memref<10240x16xf32, #tpu.memory_space<vmem_shared>> -> memref<10240x16xf32, #tpu.memory_space<vmem_shared>>
    tpu.wait_indirect_dma semaphore(%arg28 : memref<!tpu.dma_semaphore, #tpu.memory_space<semaphore_mem>>) src(%arg19 : memref<80x16xf32, #tpu.memory_space<vmem>>) dst(%dma_wait3A_708 : memref<10240x16xf32, #tpu.memory_space<vmem_shared>>)
    %add3A_709 = arith.constant 9920 : i32
    %add3A_710 = arith.addi %multiple_of3A, %add3A_709 : i32
    %multiple_of3A_711 = tpu.assume_multiple %add3A_710, 8 : i32
    %dma_start3A_712 = tpu.memref_slice %arg2[%multiple_of3A_711] : memref<320000xi32, #tpu.memory_space<hbm>> -> memref<80xi32, #tpu.memory_space<hbm>>
    %dma_start3A_713 = tpu.memref_slice %arg2[%multiple_of3A_711] : memref<320000xi32, #tpu.memory_space<hbm>> -> memref<80xi32, #tpu.memory_space<hbm>>
    tpu.enqueue_dma source(%dma_start3A_713 : memref<80xi32, #tpu.memory_space<hbm>>) target(%arg9 : memref<80xi32, #tpu.memory_space<vmem>>) target_semaphore(%arg22 : memref<!tpu.dma_semaphore, #tpu.memory_space<semaphore_mem>>)
    %dma_start3A_714 = tpu.memref_slice %arg3[%multiple_of3A_711] : memref<320000xi32, #tpu.memory_space<hbm>> -> memref<80xi32, #tpu.memory_space<hbm>>
    %dma_start3A_715 = tpu.memref_slice %arg3[%multiple_of3A_711] : memref<320000xi32, #tpu.memory_space<hbm>> -> memref<80xi32, #tpu.memory_space<hbm>>
    tpu.enqueue_dma source(%dma_start3A_715 : memref<80xi32, #tpu.memory_space<hbm>>) target(%arg13 : memref<80xi32, #tpu.memory_space<vmem>>) target_semaphore(%arg22 : memref<!tpu.dma_semaphore, #tpu.memory_space<semaphore_mem>>)
    %add3A_716 = arith.constant 9760 : i32
    %add3A_717 = arith.addi %multiple_of3A, %add3A_716 : i32
    %multiple_of3A_718 = tpu.assume_multiple %add3A_717, 8 : i32
    %dma_wait3A_719 = tpu.memref_slice %arg2[%multiple_of3A_718] : memref<320000xi32, #tpu.memory_space<hbm>> -> memref<80xi32, #tpu.memory_space<hbm>>
    %dma_wait3A_720 = tpu.memref_slice %arg2[%multiple_of3A_718] : memref<320000xi32, #tpu.memory_space<hbm>> -> memref<80xi32, #tpu.memory_space<hbm>>
    tpu.wait_dma2 semaphore(%arg24 : memref<!tpu.dma_semaphore, #tpu.memory_space<semaphore_mem>>) src(%dma_wait3A_720 : memref<80xi32, #tpu.memory_space<hbm>>) dst(%arg11 : memref<80xi32, #tpu.memory_space<vmem>>)
    %dma_wait3A_721 = tpu.memref_slice %arg3[%multiple_of3A_718] : memref<320000xi32, #tpu.memory_space<hbm>> -> memref<80xi32, #tpu.memory_space<hbm>>
    %dma_wait3A_722 = tpu.memref_slice %arg3[%multiple_of3A_718] : memref<320000xi32, #tpu.memory_space<hbm>> -> memref<80xi32, #tpu.memory_space<hbm>>
    tpu.wait_dma2 semaphore(%arg24 : memref<!tpu.dma_semaphore, #tpu.memory_space<semaphore_mem>>) src(%dma_wait3A_722 : memref<80xi32, #tpu.memory_space<hbm>>) dst(%arg15 : memref<80xi32, #tpu.memory_space<vmem>>)
    %dma_start3A_723 = arith.constant 0 : i32
    %dma_start3A_724 = arith.constant 0 : i32
    %dma_start3A_725 = tpu.memref_slice %arg4[%dma_start3A_723, %dma_start3A_724] : memref<10000x128xf32, #tpu.memory_space<hbm>> -> memref<10000x128xf32, #tpu.memory_space<hbm>>
    tpu.enqueue_indirect_dma source(%dma_start3A_725 : memref<10000x128xf32, #tpu.memory_space<hbm>>) target(%arg17 : memref<80x128xf32, #tpu.memory_space<vmem>>) offsets(%arg11 : memref<80xi32, #tpu.memory_space<vmem>>) semaphore(%arg26 : memref<!tpu.dma_semaphore, #tpu.memory_space<semaphore_mem>>)
    %dma_wait3A_726 = arith.constant 0 : i32
    %dma_wait3A_727 = arith.constant 0 : i32
    %dma_wait3A_728 = tpu.memref_slice %arg4[%dma_wait3A_726, %dma_wait3A_727] : memref<10000x128xf32, #tpu.memory_space<hbm>> -> memref<10000x128xf32, #tpu.memory_space<hbm>>
    tpu.wait_indirect_dma semaphore(%arg27 : memref<!tpu.dma_semaphore, #tpu.memory_space<semaphore_mem>>) src(%dma_wait3A_728 : memref<10000x128xf32, #tpu.memory_space<hbm>>) dst(%arg18 : memref<80x128xf32, #tpu.memory_space<vmem>>)
    %dma_start3A_729 = arith.constant 0 : i32
    %dma_start3A_730 = arith.constant 0 : i32
    %dma_start3A_731 = tpu.memref_slice %arg20[%dma_start3A_729, %dma_start3A_730] : memref<10240x128xf32, #tpu.memory_space<vmem_shared>> -> memref<10240x128xf32, #tpu.memory_space<vmem_shared>>
    tpu.enqueue_indirect_dma source(%arg18 : memref<80x128xf32, #tpu.memory_space<vmem>>) target(%dma_start3A_731 : memref<10240x128xf32, #tpu.memory_space<vmem_shared>>) offsets(%arg14 : memref<80xi32, #tpu.memory_space<vmem>>) semaphore(%arg28 : memref<!tpu.dma_semaphore, #tpu.memory_space<semaphore_mem>>) {add = true}
    %dma_start3A_732 = arith.constant 0 : i32
    %dma_start3A_733 = arith.constant 0 : i32
    %dma_start3A_734 = tpu.memref_slice %arg21[%dma_start3A_732, %dma_start3A_733] : memref<10240x16xf32, #tpu.memory_space<vmem_shared>> -> memref<10240x16xf32, #tpu.memory_space<vmem_shared>>
    tpu.enqueue_indirect_dma source(%arg19 : memref<80x16xf32, #tpu.memory_space<vmem>>) target(%dma_start3A_734 : memref<10240x16xf32, #tpu.memory_space<vmem_shared>>) offsets(%arg14 : memref<80xi32, #tpu.memory_space<vmem>>) semaphore(%arg28 : memref<!tpu.dma_semaphore, #tpu.memory_space<semaphore_mem>>) {add = true}
    %dma_wait3A_735 = arith.constant 0 : i32
    %dma_wait3A_736 = arith.constant 0 : i32
    %dma_wait3A_737 = tpu.memref_slice %arg20[%dma_wait3A_735, %dma_wait3A_736] : memref<10240x128xf32, #tpu.memory_space<vmem_shared>> -> memref<10240x128xf32, #tpu.memory_space<vmem_shared>>
    tpu.wait_indirect_dma semaphore(%arg28 : memref<!tpu.dma_semaphore, #tpu.memory_space<semaphore_mem>>) src(%arg18 : memref<80x128xf32, #tpu.memory_space<vmem>>) dst(%dma_wait3A_737 : memref<10240x128xf32, #tpu.memory_space<vmem_shared>>)
    %dma_wait3A_738 = arith.constant 0 : i32
    %dma_wait3A_739 = arith.constant 0 : i32
    %dma_wait3A_740 = tpu.memref_slice %arg21[%dma_wait3A_738, %dma_wait3A_739] : memref<10240x16xf32, #tpu.memory_space<vmem_shared>> -> memref<10240x16xf32, #tpu.memory_space<vmem_shared>>
    tpu.wait_indirect_dma semaphore(%arg28 : memref<!tpu.dma_semaphore, #tpu.memory_space<semaphore_mem>>) src(%arg19 : memref<80x16xf32, #tpu.memory_space<vmem>>) dst(%dma_wait3A_740 : memref<10240x16xf32, #tpu.memory_space<vmem_shared>>)
    %add3A_741 = arith.constant 9840 : i32
    %add3A_742 = arith.addi %multiple_of3A, %add3A_741 : i32
    %multiple_of3A_743 = tpu.assume_multiple %add3A_742, 8 : i32
    %dma_wait3A_744 = tpu.memref_slice %arg2[%multiple_of3A_743] : memref<320000xi32, #tpu.memory_space<hbm>> -> memref<80xi32, #tpu.memory_space<hbm>>
    %dma_wait3A_745 = tpu.memref_slice %arg2[%multiple_of3A_743] : memref<320000xi32, #tpu.memory_space<hbm>> -> memref<80xi32, #tpu.memory_space<hbm>>
    tpu.wait_dma2 semaphore(%arg25 : memref<!tpu.dma_semaphore, #tpu.memory_space<semaphore_mem>>) src(%dma_wait3A_745 : memref<80xi32, #tpu.memory_space<hbm>>) dst(%arg12 : memref<80xi32, #tpu.memory_space<vmem>>)
    %dma_wait3A_746 = tpu.memref_slice %arg3[%multiple_of3A_743] : memref<320000xi32, #tpu.memory_space<hbm>> -> memref<80xi32, #tpu.memory_space<hbm>>
    %dma_wait3A_747 = tpu.memref_slice %arg3[%multiple_of3A_743] : memref<320000xi32, #tpu.memory_space<hbm>> -> memref<80xi32, #tpu.memory_space<hbm>>
    tpu.wait_dma2 semaphore(%arg25 : memref<!tpu.dma_semaphore, #tpu.memory_space<semaphore_mem>>) src(%dma_wait3A_747 : memref<80xi32, #tpu.memory_space<hbm>>) dst(%arg16 : memref<80xi32, #tpu.memory_space<vmem>>)
    %dma_start3A_748 = arith.constant 0 : i32
    %dma_start3A_749 = arith.constant 0 : i32
    %dma_start3A_750 = tpu.memref_slice %arg4[%dma_start3A_748, %dma_start3A_749] : memref<10000x128xf32, #tpu.memory_space<hbm>> -> memref<10000x128xf32, #tpu.memory_space<hbm>>
    tpu.enqueue_indirect_dma source(%dma_start3A_750 : memref<10000x128xf32, #tpu.memory_space<hbm>>) target(%arg18 : memref<80x128xf32, #tpu.memory_space<vmem>>) offsets(%arg12 : memref<80xi32, #tpu.memory_space<vmem>>) semaphore(%arg27 : memref<!tpu.dma_semaphore, #tpu.memory_space<semaphore_mem>>)
    %dma_wait3A_751 = arith.constant 0 : i32
    %dma_wait3A_752 = arith.constant 0 : i32
    %dma_wait3A_753 = tpu.memref_slice %arg4[%dma_wait3A_751, %dma_wait3A_752] : memref<10000x128xf32, #tpu.memory_space<hbm>> -> memref<10000x128xf32, #tpu.memory_space<hbm>>
    tpu.wait_indirect_dma semaphore(%arg26 : memref<!tpu.dma_semaphore, #tpu.memory_space<semaphore_mem>>) src(%dma_wait3A_753 : memref<10000x128xf32, #tpu.memory_space<hbm>>) dst(%arg17 : memref<80x128xf32, #tpu.memory_space<vmem>>)
    %dma_start3A_754 = arith.constant 0 : i32
    %dma_start3A_755 = arith.constant 0 : i32
    %dma_start3A_756 = tpu.memref_slice %arg20[%dma_start3A_754, %dma_start3A_755] : memref<10240x128xf32, #tpu.memory_space<vmem_shared>> -> memref<10240x128xf32, #tpu.memory_space<vmem_shared>>
    tpu.enqueue_indirect_dma source(%arg17 : memref<80x128xf32, #tpu.memory_space<vmem>>) target(%dma_start3A_756 : memref<10240x128xf32, #tpu.memory_space<vmem_shared>>) offsets(%arg15 : memref<80xi32, #tpu.memory_space<vmem>>) semaphore(%arg28 : memref<!tpu.dma_semaphore, #tpu.memory_space<semaphore_mem>>) {add = true}
    %dma_start3A_757 = arith.constant 0 : i32
    %dma_start3A_758 = arith.constant 0 : i32
    %dma_start3A_759 = tpu.memref_slice %arg21[%dma_start3A_757, %dma_start3A_758] : memref<10240x16xf32, #tpu.memory_space<vmem_shared>> -> memref<10240x16xf32, #tpu.memory_space<vmem_shared>>
    tpu.enqueue_indirect_dma source(%arg19 : memref<80x16xf32, #tpu.memory_space<vmem>>) target(%dma_start3A_759 : memref<10240x16xf32, #tpu.memory_space<vmem_shared>>) offsets(%arg15 : memref<80xi32, #tpu.memory_space<vmem>>) semaphore(%arg28 : memref<!tpu.dma_semaphore, #tpu.memory_space<semaphore_mem>>) {add = true}
    %dma_wait3A_760 = arith.constant 0 : i32
    %dma_wait3A_761 = arith.constant 0 : i32
    %dma_wait3A_762 = tpu.memref_slice %arg20[%dma_wait3A_760, %dma_wait3A_761] : memref<10240x128xf32, #tpu.memory_space<vmem_shared>> -> memref<10240x128xf32, #tpu.memory_space<vmem_shared>>
    tpu.wait_indirect_dma semaphore(%arg28 : memref<!tpu.dma_semaphore, #tpu.memory_space<semaphore_mem>>) src(%arg17 : memref<80x128xf32, #tpu.memory_space<vmem>>) dst(%dma_wait3A_762 : memref<10240x128xf32, #tpu.memory_space<vmem_shared>>)
    %dma_wait3A_763 = arith.constant 0 : i32
    %dma_wait3A_764 = arith.constant 0 : i32
    %dma_wait3A_765 = tpu.memref_slice %arg21[%dma_wait3A_763, %dma_wait3A_764] : memref<10240x16xf32, #tpu.memory_space<vmem_shared>> -> memref<10240x16xf32, #tpu.memory_space<vmem_shared>>
    tpu.wait_indirect_dma semaphore(%arg28 : memref<!tpu.dma_semaphore, #tpu.memory_space<semaphore_mem>>) src(%arg19 : memref<80x16xf32, #tpu.memory_space<vmem>>) dst(%dma_wait3A_765 : memref<10240x16xf32, #tpu.memory_space<vmem_shared>>)
    %add3A_766 = arith.constant 9920 : i32
    %add3A_767 = arith.addi %multiple_of3A, %add3A_766 : i32
    %multiple_of3A_768 = tpu.assume_multiple %add3A_767, 8 : i32
    %dma_wait3A_769 = tpu.memref_slice %arg2[%multiple_of3A_768] : memref<320000xi32, #tpu.memory_space<hbm>> -> memref<80xi32, #tpu.memory_space<hbm>>
    %dma_wait3A_770 = tpu.memref_slice %arg2[%multiple_of3A_768] : memref<320000xi32, #tpu.memory_space<hbm>> -> memref<80xi32, #tpu.memory_space<hbm>>
    tpu.wait_dma2 semaphore(%arg22 : memref<!tpu.dma_semaphore, #tpu.memory_space<semaphore_mem>>) src(%dma_wait3A_770 : memref<80xi32, #tpu.memory_space<hbm>>) dst(%arg9 : memref<80xi32, #tpu.memory_space<vmem>>)
    %dma_wait3A_771 = tpu.memref_slice %arg3[%multiple_of3A_768] : memref<320000xi32, #tpu.memory_space<hbm>> -> memref<80xi32, #tpu.memory_space<hbm>>
    %dma_wait3A_772 = tpu.memref_slice %arg3[%multiple_of3A_768] : memref<320000xi32, #tpu.memory_space<hbm>> -> memref<80xi32, #tpu.memory_space<hbm>>
    tpu.wait_dma2 semaphore(%arg22 : memref<!tpu.dma_semaphore, #tpu.memory_space<semaphore_mem>>) src(%dma_wait3A_772 : memref<80xi32, #tpu.memory_space<hbm>>) dst(%arg13 : memref<80xi32, #tpu.memory_space<vmem>>)
    %dma_start3A_773 = arith.constant 0 : i32
    %dma_start3A_774 = arith.constant 0 : i32
    %dma_start3A_775 = tpu.memref_slice %arg4[%dma_start3A_773, %dma_start3A_774] : memref<10000x128xf32, #tpu.memory_space<hbm>> -> memref<10000x128xf32, #tpu.memory_space<hbm>>
    tpu.enqueue_indirect_dma source(%dma_start3A_775 : memref<10000x128xf32, #tpu.memory_space<hbm>>) target(%arg17 : memref<80x128xf32, #tpu.memory_space<vmem>>) offsets(%arg9 : memref<80xi32, #tpu.memory_space<vmem>>) semaphore(%arg26 : memref<!tpu.dma_semaphore, #tpu.memory_space<semaphore_mem>>)
    %dma_wait3A_776 = arith.constant 0 : i32
    %dma_wait3A_777 = arith.constant 0 : i32
    %dma_wait3A_778 = tpu.memref_slice %arg4[%dma_wait3A_776, %dma_wait3A_777] : memref<10000x128xf32, #tpu.memory_space<hbm>> -> memref<10000x128xf32, #tpu.memory_space<hbm>>
    tpu.wait_indirect_dma semaphore(%arg27 : memref<!tpu.dma_semaphore, #tpu.memory_space<semaphore_mem>>) src(%dma_wait3A_778 : memref<10000x128xf32, #tpu.memory_space<hbm>>) dst(%arg18 : memref<80x128xf32, #tpu.memory_space<vmem>>)
    %dma_start3A_779 = arith.constant 0 : i32
    %dma_start3A_780 = arith.constant 0 : i32
    %dma_start3A_781 = tpu.memref_slice %arg20[%dma_start3A_779, %dma_start3A_780] : memref<10240x128xf32, #tpu.memory_space<vmem_shared>> -> memref<10240x128xf32, #tpu.memory_space<vmem_shared>>
    tpu.enqueue_indirect_dma source(%arg18 : memref<80x128xf32, #tpu.memory_space<vmem>>) target(%dma_start3A_781 : memref<10240x128xf32, #tpu.memory_space<vmem_shared>>) offsets(%arg16 : memref<80xi32, #tpu.memory_space<vmem>>) semaphore(%arg28 : memref<!tpu.dma_semaphore, #tpu.memory_space<semaphore_mem>>) {add = true}
    %dma_start3A_782 = arith.constant 0 : i32
    %dma_start3A_783 = arith.constant 0 : i32
    %dma_start3A_784 = tpu.memref_slice %arg21[%dma_start3A_782, %dma_start3A_783] : memref<10240x16xf32, #tpu.memory_space<vmem_shared>> -> memref<10240x16xf32, #tpu.memory_space<vmem_shared>>
    tpu.enqueue_indirect_dma source(%arg19 : memref<80x16xf32, #tpu.memory_space<vmem>>) target(%dma_start3A_784 : memref<10240x16xf32, #tpu.memory_space<vmem_shared>>) offsets(%arg16 : memref<80xi32, #tpu.memory_space<vmem>>) semaphore(%arg28 : memref<!tpu.dma_semaphore, #tpu.memory_space<semaphore_mem>>) {add = true}
    %dma_wait3A_785 = arith.constant 0 : i32
    %dma_wait3A_786 = arith.constant 0 : i32
    %dma_wait3A_787 = tpu.memref_slice %arg20[%dma_wait3A_785, %dma_wait3A_786] : memref<10240x128xf32, #tpu.memory_space<vmem_shared>> -> memref<10240x128xf32, #tpu.memory_space<vmem_shared>>
    tpu.wait_indirect_dma semaphore(%arg28 : memref<!tpu.dma_semaphore, #tpu.memory_space<semaphore_mem>>) src(%arg18 : memref<80x128xf32, #tpu.memory_space<vmem>>) dst(%dma_wait3A_787 : memref<10240x128xf32, #tpu.memory_space<vmem_shared>>)
    %dma_wait3A_788 = arith.constant 0 : i32
    %dma_wait3A_789 = arith.constant 0 : i32
    %dma_wait3A_790 = tpu.memref_slice %arg21[%dma_wait3A_788, %dma_wait3A_789] : memref<10240x16xf32, #tpu.memory_space<vmem_shared>> -> memref<10240x16xf32, #tpu.memory_space<vmem_shared>>
    tpu.wait_indirect_dma semaphore(%arg28 : memref<!tpu.dma_semaphore, #tpu.memory_space<semaphore_mem>>) src(%arg19 : memref<80x16xf32, #tpu.memory_space<vmem>>) dst(%dma_wait3A_790 : memref<10240x16xf32, #tpu.memory_space<vmem_shared>>)
    %dma_wait3A_791 = arith.constant 0 : i32
    %dma_wait3A_792 = arith.constant 0 : i32
    %dma_wait3A_793 = tpu.memref_slice %arg4[%dma_wait3A_791, %dma_wait3A_792] : memref<10000x128xf32, #tpu.memory_space<hbm>> -> memref<10000x128xf32, #tpu.memory_space<hbm>>
    tpu.wait_indirect_dma semaphore(%arg26 : memref<!tpu.dma_semaphore, #tpu.memory_space<semaphore_mem>>) src(%dma_wait3A_793 : memref<10000x128xf32, #tpu.memory_space<hbm>>) dst(%arg17 : memref<80x128xf32, #tpu.memory_space<vmem>>)
    %dma_start3A_794 = arith.constant 0 : i32
    %dma_start3A_795 = arith.constant 0 : i32
    %dma_start3A_796 = tpu.memref_slice %arg20[%dma_start3A_794, %dma_start3A_795] : memref<10240x128xf32, #tpu.memory_space<vmem_shared>> -> memref<10240x128xf32, #tpu.memory_space<vmem_shared>>
    tpu.enqueue_indirect_dma source(%arg17 : memref<80x128xf32, #tpu.memory_space<vmem>>) target(%dma_start3A_796 : memref<10240x128xf32, #tpu.memory_space<vmem_shared>>) offsets(%arg13 : memref<80xi32, #tpu.memory_space<vmem>>) semaphore(%arg28 : memref<!tpu.dma_semaphore, #tpu.memory_space<semaphore_mem>>) {add = true}
    %dma_start3A_797 = arith.constant 0 : i32
    %dma_start3A_798 = arith.constant 0 : i32
    %dma_start3A_799 = tpu.memref_slice %arg21[%dma_start3A_797, %dma_start3A_798] : memref<10240x16xf32, #tpu.memory_space<vmem_shared>> -> memref<10240x16xf32, #tpu.memory_space<vmem_shared>>
    tpu.enqueue_indirect_dma source(%arg19 : memref<80x16xf32, #tpu.memory_space<vmem>>) target(%dma_start3A_799 : memref<10240x16xf32, #tpu.memory_space<vmem_shared>>) offsets(%arg13 : memref<80xi32, #tpu.memory_space<vmem>>) semaphore(%arg28 : memref<!tpu.dma_semaphore, #tpu.memory_space<semaphore_mem>>) {add = true}
    %dma_wait3A_800 = arith.constant 0 : i32
    %dma_wait3A_801 = arith.constant 0 : i32
    %dma_wait3A_802 = tpu.memref_slice %arg20[%dma_wait3A_800, %dma_wait3A_801] : memref<10240x128xf32, #tpu.memory_space<vmem_shared>> -> memref<10240x128xf32, #tpu.memory_space<vmem_shared>>
    tpu.wait_indirect_dma semaphore(%arg28 : memref<!tpu.dma_semaphore, #tpu.memory_space<semaphore_mem>>) src(%arg17 : memref<80x128xf32, #tpu.memory_space<vmem>>) dst(%dma_wait3A_802 : memref<10240x128xf32, #tpu.memory_space<vmem_shared>>)
    %dma_wait3A_803 = arith.constant 0 : i32
    %dma_wait3A_804 = arith.constant 0 : i32
    %dma_wait3A_805 = tpu.memref_slice %arg21[%dma_wait3A_803, %dma_wait3A_804] : memref<10240x16xf32, #tpu.memory_space<vmem_shared>> -> memref<10240x16xf32, #tpu.memory_space<vmem_shared>>
    tpu.wait_indirect_dma semaphore(%arg28 : memref<!tpu.dma_semaphore, #tpu.memory_space<semaphore_mem>>) src(%arg19 : memref<80x16xf32, #tpu.memory_space<vmem>>) dst(%dma_wait3A_805 : memref<10240x16xf32, #tpu.memory_space<vmem_shared>>)
    %barrier3A_806 = arith.constant 0 : index
    tpu.barrier barrier_id(%barrier3A_806)
    "tpu.region"() ({
      %run_scoped3A = tpu.sem_alloc : memref<!tpu.dma_semaphore, #tpu.memory_space<semaphore_mem>>
      %dma_start3A_807 = arith.constant 0 : i32
      %dma_start3A_808 = tpu.memref_slice %arg7[%arg0, %multiple_of3A_5, %dma_start3A_807] : memref<2x10240x128xf32, #tpu.memory_space<hbm>> -> memref<1x640x128xf32, #tpu.memory_space<hbm>>
      %dma_start3A_809 = tpu.memref_squeeze %dma_start3A_808 : memref<1x640x128xf32, #tpu.memory_space<hbm>> -> memref<640x128xf32, #tpu.memory_space<hbm>>
      %dma_start3A_810 = arith.constant 0 : i32
      %dma_start3A_811 = tpu.memref_slice %arg20[%multiple_of3A_5, %dma_start3A_810] : memref<10240x128xf32, #tpu.memory_space<vmem_shared>> -> memref<640x128xf32, #tpu.memory_space<vmem_shared>>
      tpu.enqueue_dma source(%dma_start3A_811 : memref<640x128xf32, #tpu.memory_space<vmem_shared>>) target(%dma_start3A_809 : memref<640x128xf32, #tpu.memory_space<hbm>>) target_semaphore(%run_scoped3A : memref<!tpu.dma_semaphore, #tpu.memory_space<semaphore_mem>>)
      %dma_wait3A_812 = arith.constant 0 : i32
      %dma_wait3A_813 = tpu.memref_slice %arg7[%arg0, %multiple_of3A_5, %dma_wait3A_812] : memref<2x10240x128xf32, #tpu.memory_space<hbm>> -> memref<1x640x128xf32, #tpu.memory_space<hbm>>
      %dma_wait3A_814 = tpu.memref_squeeze %dma_wait3A_813 : memref<1x640x128xf32, #tpu.memory_space<hbm>> -> memref<640x128xf32, #tpu.memory_space<hbm>>
      %dma_wait3A_815 = arith.constant 0 : i32
      %dma_wait3A_816 = tpu.memref_slice %arg20[%multiple_of3A_5, %dma_wait3A_815] : memref<10240x128xf32, #tpu.memory_space<vmem_shared>> -> memref<640x128xf32, #tpu.memory_space<vmem_shared>>
      tpu.wait_dma2 semaphore(%run_scoped3A : memref<!tpu.dma_semaphore, #tpu.memory_space<semaphore_mem>>) src(%dma_wait3A_816 : memref<640x128xf32, #tpu.memory_space<vmem_shared>>) dst(%dma_wait3A_814 : memref<640x128xf32, #tpu.memory_space<hbm>>)
      tpu.yield
    }) : () -> ()
    "tpu.region"() ({
      %run_scoped3A = tpu.sem_alloc : memref<!tpu.dma_semaphore, #tpu.memory_space<semaphore_mem>>
      %dma_start3A_807 = arith.constant 0 : i32
      %dma_start3A_808 = tpu.memref_slice %arg8[%arg0, %multiple_of3A_5, %dma_start3A_807] : memref<2x10240x16xf32, #tpu.memory_space<hbm>> -> memref<1x640x16xf32, #tpu.memory_space<hbm>>
      %dma_start3A_809 = tpu.memref_squeeze %dma_start3A_808 : memref<1x640x16xf32, #tpu.memory_space<hbm>> -> memref<640x16xf32, #tpu.memory_space<hbm>>
      %dma_start3A_810 = arith.constant 0 : i32
      %dma_start3A_811 = tpu.memref_slice %arg21[%multiple_of3A_5, %dma_start3A_810] : memref<10240x16xf32, #tpu.memory_space<vmem_shared>> -> memref<640x16xf32, #tpu.memory_space<vmem_shared>>
      tpu.enqueue_dma source(%dma_start3A_811 : memref<640x16xf32, #tpu.memory_space<vmem_shared>>) target(%dma_start3A_809 : memref<640x16xf32, #tpu.memory_space<hbm>>) target_semaphore(%run_scoped3A : memref<!tpu.dma_semaphore, #tpu.memory_space<semaphore_mem>>)
      %dma_wait3A_812 = arith.constant 0 : i32
      %dma_wait3A_813 = tpu.memref_slice %arg8[%arg0, %multiple_of3A_5, %dma_wait3A_812] : memref<2x10240x16xf32, #tpu.memory_space<hbm>> -> memref<1x640x16xf32, #tpu.memory_space<hbm>>
      %dma_wait3A_814 = tpu.memref_squeeze %dma_wait3A_813 : memref<1x640x16xf32, #tpu.memory_space<hbm>> -> memref<640x16xf32, #tpu.memory_space<hbm>>
      %dma_wait3A_815 = arith.constant 0 : i32
      %dma_wait3A_816 = tpu.memref_slice %arg21[%multiple_of3A_5, %dma_wait3A_815] : memref<10240x16xf32, #tpu.memory_space<vmem_shared>> -> memref<640x16xf32, #tpu.memory_space<vmem_shared>>
      tpu.wait_dma2 semaphore(%run_scoped3A : memref<!tpu.dma_semaphore, #tpu.memory_space<semaphore_mem>>) src(%dma_wait3A_816 : memref<640x16xf32, #tpu.memory_space<vmem_shared>>) dst(%dma_wait3A_814 : memref<640x16xf32, #tpu.memory_space<hbm>>)
      tpu.yield
    }) : () -> ()
    return
  }
}

module attributes {stable_mosaic.version = 14 : i64} {
  func.func @_tc_body(%arg0: i32, %arg1: memref<5000x128xf32, #tpu.memory_space<vmem>>, %arg2: memref<2x5000x128xf32, #tpu.memory_space<vmem>>, %arg3: memref<2x5000x16xf32, #tpu.memory_space<vmem>>, %arg4: memref<128x128xf32, #tpu.memory_space<vmem>>, %arg5: memref<128x128xf32, #tpu.memory_space<vmem>>, %arg6: memref<1x128xf32, #tpu.memory_space<vmem>>, %arg7: memref<128x128xf32, #tpu.memory_space<vmem>>, %arg8: memref<1x128xf32, #tpu.memory_space<vmem>>, %arg9: memref<5000x128xf32, #tpu.memory_space<vmem>>) attributes {dimension_semantics = [#tpu.dimension_semantics<parallel>], iteration_bounds = array<i64: 2>, scalar_prefetch = 0 : i64, scratch_operands = 0 : i64, tpu.core_type = #tpu.core_type<tc>, window_params = [{transform_indices = @transform_0, window_bounds = array<i64: 5000, 128>}, {transform_indices = @transform_1, window_bounds = array<i64: 2, 5000, 128>}, {transform_indices = @transform_2, window_bounds = array<i64: 2, 5000, 16>}, {pipeline_mode = #tpu.pipeline_mode<synchronous>, transform_indices = @transform_3, window_bounds = array<i64: 128, 128>}, {pipeline_mode = #tpu.pipeline_mode<synchronous>, transform_indices = @transform_4, window_bounds = array<i64: 128, 128>}, {pipeline_mode = #tpu.pipeline_mode<synchronous>, transform_indices = @transform_5, window_bounds = array<i64: 1, 128>}, {pipeline_mode = #tpu.pipeline_mode<synchronous>, transform_indices = @transform_6, window_bounds = array<i64: 128, 128>}, {pipeline_mode = #tpu.pipeline_mode<synchronous>, transform_indices = @transform_7, window_bounds = array<i64: 1, 128>}, {transform_indices = @transform_8, window_bounds = array<i64: 5000, 128>}]} {
    %get3A = arith.constant 0 : index
    %get3A_0 = arith.constant 0 : index
    %get3A_1 = vector.load %arg1[%get3A, %get3A_0] : memref<5000x128xf32, #tpu.memory_space<vmem>>, vector<5000x128xf32>
    %get3A_2 = arith.constant 0 : index
    %get3A_3 = arith.constant 0 : index
    %get3A_4 = arith.constant 0 : index
    %get3A_5 = vector.load %arg2[%get3A_2, %get3A_3, %get3A_4] : memref<2x5000x128xf32, #tpu.memory_space<vmem>>, vector<1x5000x128xf32>
    %get3A_6 = vector.shape_cast %get3A_5 : vector<1x5000x128xf32> to vector<5000x128xf32>
    %get3A_7 = arith.constant 1 : index
    %get3A_8 = arith.constant 0 : index
    %get3A_9 = arith.constant 0 : index
    %get3A_10 = vector.load %arg2[%get3A_7, %get3A_8, %get3A_9] : memref<2x5000x128xf32, #tpu.memory_space<vmem>>, vector<1x5000x128xf32>
    %get3A_11 = vector.shape_cast %get3A_10 : vector<1x5000x128xf32> to vector<5000x128xf32>
    %add3A = arith.addf %get3A_6, %get3A_11 : vector<5000x128xf32>
    %get3A_12 = arith.constant 0 : index
    %get3A_13 = arith.constant 0 : index
    %get3A_14 = arith.constant 0 : index
    %get3A_15 = vector.load %arg3[%get3A_12, %get3A_13, %get3A_14] : memref<2x5000x16xf32, #tpu.memory_space<vmem>>, vector<1x5000x16xf32>
    %get3A_16 = vector.shape_cast %get3A_15 : vector<1x5000x16xf32> to vector<5000x16xf32>
    %get3A_17 = arith.constant 1 : index
    %get3A_18 = arith.constant 0 : index
    %get3A_19 = arith.constant 0 : index
    %get3A_20 = vector.load %arg3[%get3A_17, %get3A_18, %get3A_19] : memref<2x5000x16xf32, #tpu.memory_space<vmem>>, vector<1x5000x16xf32>
    %get3A_21 = vector.shape_cast %get3A_20 : vector<1x5000x16xf32> to vector<5000x16xf32>
    %add3A_22 = arith.addf %get3A_16, %get3A_21 : vector<5000x16xf32>
    %slice3A = vector.extract_strided_slice %add3A_22 {offsets = [0, 0], sizes = [5000, 1], strides = [1, 1]} : vector<5000x16xf32> to vector<5000x1xf32>
    %max3A = arith.constant 1.000000e+00 : f32
    %max3A_23 = vector.broadcast %max3A : f32 to vector<5000x1xf32>
    %max3A_24 = arith.maximumf %slice3A, %max3A_23 : vector<5000x1xf32>
    %div3A = vector.broadcast %max3A_24 : vector<5000x1xf32> to vector<5000x128xf32>
    %div3A_25 = arith.divf %add3A, %div3A : vector<5000x128xf32>
    %eq3A = arith.constant 0.000000e+00 : f32
    %eq3A_26 = vector.broadcast %eq3A : f32 to vector<5000x1xf32>
    %eq3A_27 = arith.cmpf oeq, %slice3A, %eq3A_26 : vector<5000x1xf32>
    %broadcast_in_dim3A = vector.shape_cast %eq3A_27 : vector<5000x1xi1> to vector<5000x1xi1>
    %broadcast_in_dim3A_28 = vector.broadcast %broadcast_in_dim3A : vector<5000x1xi1> to vector<5000x128xi1>
    %select_n3A = arith.select %broadcast_in_dim3A_28, %get3A_1, %div3A_25 : vector<5000x128xi1>, vector<5000x128xf32>
    %get3A_29 = arith.constant 0 : index
    %get3A_30 = arith.constant 0 : index
    %get3A_31 = vector.load %arg4[%get3A_29, %get3A_30] : memref<128x128xf32, #tpu.memory_space<vmem>>, vector<128x128xf32>
    %dot_general3A = arith.constant dense<0.000000e+00> : vector<5000x128xf32>
    %dot_general3A_32 = tpu.matmul %get3A_1, %get3A_31, %dot_general3A {dimension_numbers = #tpu.dot_dimension_numbers<[1], [1], [0], [0], [0, 0, 1, 0], [], []>, transpose_lhs_hint = false} : vector<5000x128xf32>, vector<128x128xf32>, vector<5000x128xf32> -> vector<5000x128xf32>
    %get3A_33 = arith.constant 0 : index
    %get3A_34 = arith.constant 0 : index
    %get3A_35 = vector.load %arg5[%get3A_33, %get3A_34] : memref<128x128xf32, #tpu.memory_space<vmem>>, vector<128x128xf32>
    %dot_general3A_36 = arith.constant dense<0.000000e+00> : vector<5000x128xf32>
    %dot_general3A_37 = tpu.matmul %select_n3A, %get3A_35, %dot_general3A_36 {dimension_numbers = #tpu.dot_dimension_numbers<[1], [1], [0], [0], [0, 0, 1, 0], [], []>, transpose_lhs_hint = false} : vector<5000x128xf32>, vector<128x128xf32>, vector<5000x128xf32> -> vector<5000x128xf32>
    %add3A_38 = arith.addf %dot_general3A_32, %dot_general3A_37 : vector<5000x128xf32>
    %get3A_39 = arith.constant 0 : index
    %get3A_40 = arith.constant 0 : index
    %get3A_41 = vector.load %arg6[%get3A_39, %get3A_40] : memref<1x128xf32, #tpu.memory_space<vmem>>, vector<1x128xf32>
    %add3A_42 = vector.broadcast %get3A_41 : vector<1x128xf32> to vector<5000x128xf32>
    %add3A_43 = arith.addf %add3A_38, %add3A_42 : vector<5000x128xf32>
    %mul3A = arith.constant 5.000000e-01 : f32
    %mul3A_44 = vector.broadcast %mul3A : f32 to vector<5000x128xf32>
    %mul3A_45 = arith.mulf %mul3A_44, %add3A_43 : vector<5000x128xf32>
    %mul3A_46 = arith.constant 0.707106769 : f32
    %mul3A_47 = vector.broadcast %mul3A_46 : f32 to vector<5000x128xf32>
    %mul3A_48 = arith.mulf %add3A_43, %mul3A_47 : vector<5000x128xf32>
    %erf3A = math.erf %mul3A_48 : vector<5000x128xf32>
    %add3A_49 = arith.constant 1.000000e+00 : f32
    %add3A_50 = vector.broadcast %add3A_49 : f32 to vector<5000x128xf32>
    %add3A_51 = arith.addf %add3A_50, %erf3A : vector<5000x128xf32>
    %mul3A_52 = arith.mulf %mul3A_45, %add3A_51 : vector<5000x128xf32>
    %get3A_53 = arith.constant 0 : index
    %get3A_54 = arith.constant 0 : index
    %get3A_55 = vector.load %arg7[%get3A_53, %get3A_54] : memref<128x128xf32, #tpu.memory_space<vmem>>, vector<128x128xf32>
    %dot_general3A_56 = arith.constant dense<0.000000e+00> : vector<5000x128xf32>
    %dot_general3A_57 = tpu.matmul %mul3A_52, %get3A_55, %dot_general3A_56 {dimension_numbers = #tpu.dot_dimension_numbers<[1], [1], [0], [0], [0, 0, 1, 0], [], []>, transpose_lhs_hint = false} : vector<5000x128xf32>, vector<128x128xf32>, vector<5000x128xf32> -> vector<5000x128xf32>
    %get3A_58 = arith.constant 0 : index
    %get3A_59 = arith.constant 0 : index
    %get3A_60 = vector.load %arg8[%get3A_58, %get3A_59] : memref<1x128xf32, #tpu.memory_space<vmem>>, vector<1x128xf32>
    %add3A_61 = vector.broadcast %get3A_60 : vector<1x128xf32> to vector<5000x128xf32>
    %add3A_62 = arith.addf %dot_general3A_57, %add3A_61 : vector<5000x128xf32>
    %swap3A = arith.constant 0 : index
    %swap3A_63 = arith.constant 0 : index
    %swap3A_64 = vector.load %arg9[%swap3A, %swap3A_63] : memref<5000x128xf32, #tpu.memory_space<vmem>>, vector<5000x128xf32>
    tpu.vector_store %arg9[%swap3A, %swap3A_63], %add3A_62 {strides = array<i32>} : memref<5000x128xf32, #tpu.memory_space<vmem>>, vector<5000x128xf32>,
    return
  }
  func.func @transform_0(%arg0: i32) -> (i32, i32) {
    %c0_i32 = arith.constant 0 : i32
    %c0_i32_0 = arith.constant 0 : i32
    return %arg0, %c0_i32 : i32, i32
  }
  func.func @transform_1(%arg0: i32) -> (i32, i32, i32) {
    %c0_i32 = arith.constant 0 : i32
    %c0_i32_0 = arith.constant 0 : i32
    %c0_i32_1 = arith.constant 0 : i32
    return %c0_i32, %arg0, %c0_i32_0 : i32, i32, i32
  }
  func.func @transform_2(%arg0: i32) -> (i32, i32, i32) {
    %c0_i32 = arith.constant 0 : i32
    %c0_i32_0 = arith.constant 0 : i32
    %c0_i32_1 = arith.constant 0 : i32
    return %c0_i32, %arg0, %c0_i32_0 : i32, i32, i32
  }
  func.func @transform_3(%arg0: i32) -> (i32, i32) {
    %c0_i32 = arith.constant 0 : i32
    %c0_i32_0 = arith.constant 0 : i32
    %c0_i32_1 = arith.constant 0 : i32
    return %c0_i32, %c0_i32_0 : i32, i32
  }
  func.func @transform_4(%arg0: i32) -> (i32, i32) {
    %c0_i32 = arith.constant 0 : i32
    %c0_i32_0 = arith.constant 0 : i32
    %c0_i32_1 = arith.constant 0 : i32
    return %c0_i32, %c0_i32_0 : i32, i32
  }
  func.func @transform_5(%arg0: i32) -> (i32, i32) {
    %c0_i32 = arith.constant 0 : i32
    %c0_i32_0 = arith.constant 0 : i32
    %c0_i32_1 = arith.constant 0 : i32
    return %c0_i32, %c0_i32_0 : i32, i32
  }
  func.func @transform_6(%arg0: i32) -> (i32, i32) {
    %c0_i32 = arith.constant 0 : i32
    %c0_i32_0 = arith.constant 0 : i32
    %c0_i32_1 = arith.constant 0 : i32
    return %c0_i32, %c0_i32_0 : i32, i32
  }
  func.func @transform_7(%arg0: i32) -> (i32, i32) {
    %c0_i32 = arith.constant 0 : i32
    %c0_i32_0 = arith.constant 0 : i32
    %c0_i32_1 = arith.constant 0 : i32
    return %c0_i32, %c0_i32_0 : i32, i32
  }
  func.func @transform_8(%arg0: i32) -> (i32, i32) {
    %c0_i32 = arith.constant 0 : i32
    %c0_i32_0 = arith.constant 0 : i32
    return %arg0, %c0_i32 : i32, i32
  }
}

</mosaic_0001>

<sc_bundles>
// kernel: kernel.4.cloned.1.call-start
scs
__scs_entry_jumppad:
0x0: {  	(pc) =	sbr.rel $0x88, $3  }
0x1: {  	(tag) =	ssettag $0x0;
	lr =	simm.s32 $0x1  }
0x2: {  	[smem:$0x3F9B] =	sst lr;
	_ =	strace $0xD0000000  }
0x3: {  	_ = 	snop  }
0x4: {  	_ = 	snop  }
0x5: {  	_ = 	snop  }
0x6: {  	_ = 	snop  }
0x7: {  	_ = 	snop  }
__scs_overlays_trampoline_lowered:
0x8: {  	[smem:$0x3FAA] =	sst s0  }
0x9: {  	[smem:$0x3FAB] =	sst s1  }
0xa: {  	[smem:$0x3FAC] =	sst s2  }
0xb: {  	[smem:$0x3FAD] =	sst s3  }
0xc: {  	[smem:$0x3FAE] =	sst s4  }
0xd: {  	[smem:$0x3FAF] =	sst s5  }
0xe: {  	[smem:$0x3FB0] =	sst s6  }
0xf: {  	[smem:$0x3FB1] =	sst s7  }
0x10: {  	[smem:$0x3FB2] =	sst s8  }
0x11: {  	[smem:$0x3FB3] =	sst s9;
	s0 =	simm.s32 @!p0 $0x0  }
0x12: {  	s1 =	sld [smem:$0x3F99];
	s0 =	simm.s32 @p0 $0x1  }
0x13: {  	[smem:$0x3FB4] =	sst s0;
	s0 =	simm.s32 @!p1 $0x0  }
0x14: {  	s2 =	sld [smem:$0x3F98];
	s0 =	simm.s32 @p1 $0x1  }
0x15: {  	[smem:$0x3FB5] =	sst s0;
	s0 =	simm.s32 @!p2 $0x0  }
0x16: {  	s3 =	sld [smem:$0x3FDB];
	s0 =	simm.s32 @p2 $0x1  }
0x17: {  	s4 =	simm.s32 $0x1BF5;
	[smem:$0x3FB7] =	sst s0  }
0x18: {  	s0 =	sld [smem:$0x3F9A];
	_ =	swait.ge [sflag:s4], $0x0  }
0x19: {  	s7 =	sld [smem:$0x3F9B]  }
0x1a: {  	s8 =	sadd.s32 $0xFFFFE003, lr  }
0x1b: {  	s9 =	sadd.s32 $0xFFFFFEF7, lr;
	s5 =	simm.s32 $0xFFFFFFFF;
	p2 =	slt.u32 s8, $0xFFFFF086  }
0x1c: {  	p1 =	slt.u32 s9, $0xF7A;
	s5 =	simm.s32 @!p2 $0x0  }
0x1d: {  	s5 =	simm.s32 @p1 $0x1;
	p0 =	seq.s32 s7, s2  }
0x1e: {  	s7 =	smul.u32 @!p0 $0xF7A, s2;
	p2 =	seq.s32 @!p0 s5, $0x0  }
0x1f: {  	s9 =	smul.u32 $0xF7A, s1;
	s8 =	simm.s32 @!p0 $0x1BF5;
	p2 =	por !p2, p0  }
0x20: {  	[sflag:s8] =	ssyncset.s32 @!p0 $0xFFFFF086;
	s6 =	sadd.s32 @!p0 s3, s7;
	s7 =	simm.s32 @!p0 $0x108  }
0x21: {  	s3 =	sadd.s32 s3, s9;
	s6 =	sadd.s32 @!p0 $0x88, s6;
	s7 =	simm.s32 @p2 $0x1082  }
0x22: {  	[simem:s7], [sflag:s8] =	dma.local @!p0 [hbm:s6], $0xF7A  }
0x23: {  	s9 =	sor.u32 $0xD0000000, s2;
	s6 =	simm.s32 $0x108;
	_ =	swait.ge @!p0 [sflag:s8], $0x0  }
0x24: {  	s3 =	sadd.s32 $0x88, s3;
	s6 =	simm.s32 @!p1 $0x1082;
	[sflag:s4] =	ssyncset.s32 $0xFFFFF086  }
0x25: {  	[simem:s6], [sflag:s4] =	dma.local [hbm:s3], $0xF7A  }
0x26: {  	[smem:$0x3F9B] =	sst s1;
	(tag) =	ssettag s2;
	_ =	strace s9  }
0x27: {  	s1 =	sld [smem:$0x3FAB]  }
0x28: {  	s2 =	sld [smem:$0x3FAC]  }
0x29: {  	s4 =	sld [smem:$0x3FAE]  }
0x2a: {  	p0 =	seq.s32 s5, $0x0;
	s5 =	sld [smem:$0x3FAF]  }
0x2b: {  	s6 =	sld [smem:$0x3FB0]  }
0x2c: {  	s7 =	sld [smem:$0x3FB1]  }
0x2d: {  	s3 =	simm.s32 $0x108;
	s8 =	sld [smem:$0x3FB2]  }
0x2e: {  	s3 =	simm.s32 @!p0 $0x1082;
	s9 =	sld [smem:$0x3FB3]  }
0x2f: {  	lr =	sadd.s32 s0, s3;
	s0 =	sld [smem:$0x3FAA]  }
0x30: {  	s3 =	sld [smem:$0x3FAD]  }
0x31: {  	[smem:$0x3FB6] =	sst s10  }
0x32: {  	s10 =	sld [smem:$0x3FB4];
	_ =	sdelay $0x3  }
0x33: {  	p0 =	seq.s32 s10, $0x1;
	s10 =	sld [smem:$0x3FB6];
	_ =	sdelay $0x3  }
0x34: {  	[smem:$0x3FB6] =	sst s10  }
0x35: {  	s10 =	sld [smem:$0x3FB5];
	_ =	sdelay $0x3  }
0x36: {  	p1 =	seq.s32 s10, $0x1;
	s10 =	sld [smem:$0x3FB6];
	_ =	sdelay $0x3  }
0x37: {  	[smem:$0x3FB6] =	sst s10  }
0x38: {  	s10 =	sld [smem:$0x3FB7]  }
0x39: {  	_ = 	snop;
	(pc) =	sbr.ind lr, $3  }
0x3a: {  	_ = 	snop  }
0x3b: {  	_ = 	snop  }
0x3c: {  	p2 =	seq.s32 s10, $0x1;
	s10 =	sld [smem:$0x3FB6]  }
0x3d: {  	_ =	shalt  }
0x3e: {  	_ =	shalt  }
0x3f: {  	_ =	shalt  }
0x40: {  	_ =	shalt  }
0x41: {  	_ =	shalt  }
0x42: {  	_ =	shalt  }
0x43: {  	_ =	shalt  }
0x44: {  	_ =	shalt  }
0x45: {  	_ =	shalt  }
0x46: {  	_ =	shalt  }
0x47: {  	_ =	shalt  }
0x48: {  	_ =	shalt  }
0x49: {  	_ =	shalt  }
0x4a: {  	_ =	shalt  }
0x4b: {  	_ =	shalt  }
0x4c: {  	_ =	shalt  }
0x4d: {  	_ =	shalt  }
0x4e: {  	_ =	shalt  }
0x4f: {  	_ =	shalt  }
0x50: {  	_ =	shalt  }
0x51: {  	_ =	shalt  }
0x52: {  	_ =	shalt  }
0x53: {  	_ =	shalt  }
0x54: {  	_ =	shalt  }
0x55: {  	_ =	shalt  }
0x56: {  	_ =	shalt  }
0x57: {  	_ =	shalt  }
0x58: {  	_ =	shalt  }
0x59: {  	_ =	shalt  }
0x5a: {  	_ =	shalt  }
0x5b: {  	_ =	shalt  }
0x5c: {  	_ =	shalt  }
0x5d: {  	_ =	shalt  }
0x5e: {  	_ =	shalt  }
0x5f: {  	_ =	shalt  }
0x60: {  	_ =	shalt  }
0x61: {  	_ =	shalt  }
0x62: {  	_ =	shalt  }
0x63: {  	_ =	shalt  }
0x64: {  	_ =	shalt  }
0x65: {  	_ =	shalt  }
0x66: {  	_ =	shalt  }
0x67: {  	_ =	shalt  }
0x68: {  	_ =	shalt  }
0x69: {  	_ =	shalt  }
0x6a: {  	_ =	shalt  }
0x6b: {  	_ =	shalt  }
0x6c: {  	_ =	shalt  }
0x6d: {  	_ =	shalt  }
0x6e: {  	_ =	shalt  }
0x6f: {  	_ =	shalt  }
0x70: {  	_ =	shalt  }
0x71: {  	_ =	shalt  }
0x72: {  	_ =	shalt  }
0x73: {  	_ =	shalt  }
0x74: {  	_ =	shalt  }
0x75: {  	_ =	shalt  }
0x76: {  	_ =	shalt  }
0x77: {  	_ =	shalt  }
0x78: {  	_ =	shalt  }
0x79: {  	_ =	shalt  }
0x7a: {  	_ =	shalt  }
0x7b: {  	_ =	shalt  }
0x7c: {  	_ =	shalt  }
0x7d: {  	_ =	shalt  }
0x7e: {  	_ =	shalt  }
0x7f: {  	_ =	shalt  }
0x80: {  	_ =	shalt  }
0x81: {  	_ =	shalt  }
0x82: {  	_ =	shalt  }
0x83: {  	_ =	shalt  }
0x84: {  	_ =	shalt  }
0x85: {  	_ =	shalt  }
0x86: {  	_ =	shalt  }
0x87: {  	_ =	shalt  }
.Lfunc_end0:
.L_simem_size_0:
called_computation_lowered:
.L_overlay_start_0:
0x88: {  	s2 =	sld [smem:$0x3FD9]  }
0x89: {  	s3 =	sld [smem:$0x3FFE];
	_ =	sdelay $0x1  }
0x8a: {  	s1 =	srdreg.scid  }
0x8b: {  	s0 =	sand.u32 $0x1, s1  }
0x8c: {  	s17 =	sshll.u32 s0, $0xA;
	s2 =	sadd.s32 s3, s2  }
0x8d: {  	s2 =	sadd.s32 s2, s17  }
0x8e: {  	[smem:$0x3FC2] =	sst s2  }
0x8f: {  	_ = 	snop  }
0x90: {  	s2 =	sld [smem:$0x3FC9]  }
0x91: {  	s18 =	sld [smem:$0x3FD0];
	(tm) =	ssettm $0x1  }
0x92: {  	s4 =	sld [smem:$0x3FFB];
	_ =	sdelay $0x3  }
0x93: {  	_ =	strace s4  }
0x94: {  	s4 =	sld [smem:$0x3FFC];
	_ =	sdelay $0x3  }
0x95: {  	_ =	strace s4  }
0x96: {  	s4 =	sld [smem:$0x3FFD];
	_ =	sdelay $0x3  }
0x97: {  	_ =	strace s4  }
0x98: {  	_ =	strace $0x8FFFFFFF  }
0x99: {  	s19 =	sld [smem:$0x3FDB];
	_ =	sdelay $0x1  }
0x9a: {  	s5 =	simm.s32 $_scs_section_size  }
0x9b: {  	s6 =	simm.s32 $_size__tile_overlayer_lowered;
	s7 =	simm.s32 $_tile_overlayer_lowered  }
0x9c: {  	s22 =	simm.s32 $0x1BFF;
	s21 =	sshll.u32 s7, $0x1;
	s4 =	sadd.s32 s5, s19  }
0x9d: {  	s8 =	simm.s32 $0x0;
	s20 =	sshll.u32 s6, $0x1;
	s6 =	sadd.s32 s21, s4  }
0x9e: {  	[timem:s8], [sflag:s22] =	dma.local [hbm:s6], s20  }
0x9f: {  	_ =	swait.ge [sflag:s22], s20  }
0xa0: {  	s5 =	ssub.s32 $0x0, s20;
	[sflag:s22] =	ssyncset.done $0x0  }
0xa1: {  	[sflag:s22] =	ssyncadd.s32 s5;
	_ =	sdelay $0x1  }
0xa2: {  	s23 =	simm.s32 $0x1B8B  }
0xa3: {  	_ =	swait.ge [sflag:s23], $0x1  }
0xa4: {  	[sflag:s23] =	ssyncset.done $0x0  }
0xa5: {  	s25 =	simm.s32 $0x1B8E;
	s24 =	sld [smem:$0x3FFE];
	[sflag:s23] =	ssyncadd.s32 $0xFFFFFFFF  }
0xa6: {  	s26 =	simm.s32 $execute0_lowered;
	[smem:$0x3FD2] =	sst s25  }
0xa7: {  	s6 =	sshll.u32 s26, $0x1;
	_ =	strace $0x80000046;
	[dreg:$0x1] =	wrdreg $0xFFFFFFFF  }
0xa8: {  	s28 =	simm.s32 $_size_execute0_lowered;
	s4 =	sadd.s32 s4, s6;
	[dreg:$0x0] =	wrdreg $0x0  }
0xa9: {  	s6 =	sshll.u32 s28, $0x1;
	[dreg:$0x2] =	wrdreg s4  }
0xaa: {  	[dreg:$0x3] =	wrdreg s6  }
0xab: {  	[dreg:$0x4] =	wrdreg $0xC0  }
0xac: {  	_ =	task [dreg:s8], $0x5FFFF  }
0xad: {  	[dreg:$0x1] =	wrdreg $0xFFFFFFFF  }
0xae: {  	[dreg:$0x0] =	wrdreg $0x60  }
0xaf: {  	[dreg:$0x2] =	wrdreg s24  }
0xb0: {  	[dreg:$0x3] =	wrdreg s2  }
0xb1: {  	[dreg:$0x4] =	wrdreg s18  }
0xb2: {  	[dreg:$0x5] =	wrdreg $0x57800  }
0xb3: {  	[dreg:$0x6] =	wrdreg $0x197800  }
0xb4: {  	[dreg:$0x7] =	wrdreg $0x9  }
0xb5: {  	_ =	task.clear_ibuf [dreg:s8], $0x8FFFF;
	_ =	strace $0x90000046  }
0xb6: {  	s29 =	simm.s32 $0x9;
	_ =	strace $0x80000048  }
0xb7: {  	_ =	swait.ge [sflag:s29], $0x1  }
0xb8: {  	[sflag:s29] =	ssyncadd.s32 $0xFFFFFFFF  }
0xb9: {  	_ =	strace $0x90000048  }
0xba: {  	_ =	sfence  }
0xbb: {  	s30 =	sld [smem:$0x0];
	_ =	sdelay $0x2  }
0xbc: {  	s31 =	sshll.u32 s1, $0xD;
	s1 =	sshrl.u32 s1, $0x2  }
0xbd: {  	s3 =	sand.u32 $0x4000, s31;
	s1 =	sadd.s32 s1, s30  }
0xbe: {  	s0 =	sor.u32 s3, s0;
	s1 =	sshll.u32 s1, $0x11  }
0xbf: {  	s0 =	sor.u32 s1, s0  }
0xc0: {  	s0 =	sadd.s32 $0x8F2B, s0  }
0xc1: {  	[sflag:s0] =	ssyncadd.remote.s32 $0x1  }
0xc2: {  	_ =	sfence.sel $0xFFFF  }
0xc3: {  	[dreg:$0x0] =	wrdreg $0xFFFFFFFF;
	(pc) =	sbr.abs _section_cstart, $3  }
0xc4: {  	[dreg:$0x1] =	wrdreg $0xFFFFFFFF  }
0xc5: {  	_ =	task.clear_ibuf [dreg:s8], $0x2FFFF;
	_ =	strace $0x9FFFFFFF  }
0xc6: {  	(tm) =	ssettm $0x7FFFFFFF  }
0xc7: {  	_ =	shalt  }
tec
execute0_lowered:
.L_overlay_start_1:
0x0: {  	(tag) =	ssettag $0x1  }
0x1: {  	s3 =	rddreg [dreg:$0x0]  }
0x2: {  	s1 =	rddreg [dreg:$0x1]  }
0x3: {  	s0 =	rddreg [dreg:$0x2]  }
0x4: {  	s2 =	rddreg [dreg:$0x3]  }
0x5: {  	s4 =	rddreg [dreg:$0x4];
	s5 =	simm.s32 $0x0;
	s16 =	stileid.u32  }
0x6: {  	s6 =	srdreg.scid;
	s28 =	simm.s32 $0x8;
	s29 =	simm.s32 $0x140  }
0x7: {  	s30 =	simm.s32 $0x50;
	s31 =	simm.s32 $0x190;
	s8 =	smul.u32 $0x14000, s16  }
0x8: {  	[smem:$0x7FF] =	sst s5;
	s9 =	smul.u32 $0x2800, s16;
	s11 =	sand.u32 $0x1, s6  }
0x9: {  	s6 =	sadd.s32 $0xB200, s3;
	s7 =	sadd.s32 $0x1400, s3;
	s20 =	smul.u32 $0x4E20, s16  }
0xa: {  	s14 =	sshll.u32 s16, $0x1;
	s21 =	sshll.u32 s16, $0x6;
	s12 =	smul.u32 $0x140000, s11  }
0xb: {  	s16 =	simm.s32 $0x5280;
	_ =	strace $0x80000047;
	s22 =	smul.u32 $0x2710, s11  }
0xc: {  	s15 =	ssub.s32 $0x2, s11;
	s14 =	sor.u32 s11, s14;
	s11 =	smul.u32 $0x28000, s11  }
0xd: {  	s10 =	sshrl.u32 s8, $0x3;
	s13 =	sshrl.u32 s9, $0x3;
	s19 =	sshrl.u32 s15, $0x1  }
0xe: {  	s14 =	smul.u32 $0x2710, s14;
	s23 =	sadd.s32 s9, s4;
	s10 =	sadd.s32 s10, s3  }
0xf: {  	s13 =	sadd.s32 s13, s3;
	s12 =	sadd.s32 s8, s12;
	s8 =	sadd.s32 s8, s2  }
0x10: {  	[dreg:$0xe] =	wrdreg s23;
	s9 =	sadd.s32 s9, s11;
	s11 =	simm.s32 $0x1  }
0x11: {  	s12 =	sshrl.u32 s12, $0x3;
	[dreg:$0xc] =	wrdreg s8;
	s10 =	sadd.s32 $0x1A000, s10  }
0x12: {  	s14 =	sshrl.u32 s14, $0x3;
	s13 =	sadd.s32 $0x15000, s13;
	s8 =	sadd.s32 s22, s20  }
0x13: {  	s9 =	sshrl.u32 s9, $0x3;
	s3 =	sadd.s32 s12, s3;
	[dreg:$0xd] =	wrdreg s10  }
0x14: {  	s12 =	ssub.s32 s15, s19;
	s10 =	sor.u32 $0x1C08, s21;
	[dreg:$0xf] =	wrdreg s13  }
0x15: {  	s24 =	sadd.s32 s6, s14;
	s13 =	sadd.s32 $0xA, s14;
	s15 =	sadd.s32 $0x230, s8  }
0x16: {  	s25 =	sadd.s32 s7, s14;
	s18 =	sadd.s32 $0x1E0, s8;
	[dreg:$0x10] =	wrdreg s24  }
0x17: {  	s22 =	sadd.s32 $0x190, s8;
	s0 =	sadd.s32 s0, s9;
	[dreg:$0x11] =	wrdreg s25  }
0x18: {  	s9 =	simm.s32 $0x230;
	s26 =	sadd.s32 s6, s13;
	[dreg:$0x16] =	wrdreg s0  }
0x19: {  	s15 =	sshrl.u32 s15, $0x3;
	s13 =	sadd.s32 s7, s13;
	[dreg:$0x12] =	wrdreg s26  }
0x1a: {  	s20 =	sshrl.u32 s18, $0x3;
	s17 =	sadd.s32 s15, s7;
	[dreg:$0x13] =	wrdreg s13  }
0x1b: {  	s24 =	sshrl.u32 s22, $0x3;
	s19 =	sadd.s32 s15, s6;
	[dreg:$0x6] =	wrdreg s17  }
0x1c: {  	s25 =	sadd.s32 $0x14, s14;
	s21 =	sadd.s32 s20, s7;
	[dreg:$0x7] =	wrdreg s19  }
0x1d: {  	s22 =	sadd.s32 $0x4D8, s14;
	s23 =	sadd.s32 s20, s6;
	[dreg:$0x8] =	wrdreg s21  }
0x1e: {  	s26 =	sadd.s32 s24, s7;
	s18 =	sadd.s32 s7, s25;
	[dreg:$0x9] =	wrdreg s23  }
0x1f: {  	s20 =	sadd.s32 $0x1E, s14;
	s13 =	simm.s32 $0x2;
	[dreg:$0xa] =	wrdreg s26  }
0x20: {  	s14 =	simm.s32 $0x2A80;
	s17 =	sadd.s32 s6, s25;
	[dreg:$0x15] =	wrdreg s18  }
0x21: {  	s15 =	simm.s32 $0x5;
	s19 =	sadd.s32 s24, s6;
	[dreg:$0x14] =	wrdreg s17  }
0x22: {  	s21 =	sadd.s32 s6, s20;
	s0 =	sadd.s32 s7, s20;
	[dreg:$0xb] =	wrdreg s19  }
0x23: {  	s23 =	sadd.s32 s6, s22;
	s24 =	sadd.s32 $0x42000, s3;
	[dreg:$0x17] =	wrdreg s21  }
0x24: {  	s25 =	smax.u32 s12, $0x1;
	s26 =	sadd.s32 $0x140, s8;
	[dreg:$0x18] =	wrdreg s0  }
0x25: {  	s3 =	simm.s32 $0x1E0;
	s8 =	simm.s32 $0xF0;
	[dreg:$0x19] =	wrdreg s23  }
0x26: {  	s12 =	simm.s32 $0x280;
	s18 =	simm.s32 $0x3;
	[dreg:$0x1b] =	wrdreg s24  }
0x27: {  	s20 =	simm.s32 $0x4;
	s0 =	sadd.s32 s7, s22;
	[dreg:$0x1c] =	wrdreg s25  }
0x28: {  	[dreg:$0x1d] =	wrdreg s26;
	s17 =	simm.s32 $0x7;
	s19 =	simm.s32 $0x6  }
0x29: {  	v0 =	vimm.f32 $1.000000000e+00;
	s21 =	simm.s32 $0x0;
	[dreg:$0x1a] =	wrdreg s0;
	s0 =	simm.s32 $0xA0  }
.LBB2_1:
0x2a: {  	s22 =	rddreg [dreg:$0xc]  }
0x2b: {  	s25 =	rddreg [dreg:$0xd];
	s23 =	sshrl.u32 s22, $0x3  }
0x2c: {  	[dreg:$0x1e] =	wrdreg s23  }
0x2d: {  	[spmem:s23], [sflag:s10] =	dma.local [hbm:s25], $0x2800  }
0x2e: {  	_ =	swait.ge [sflag:s28], $0x2800  }
0x2f: {  	s26 =	rddreg [dreg:$0xe]  }
0x30: {  	[sflag:s28] =	ssyncset.done $0x0;
	s24 =	rddreg [dreg:$0xf];
	s22 =	sshrl.u32 s26, $0x3  }
0x31: {  	[sflag:s28] =	ssyncadd.s32 $0xFFFFD800;
	[dreg:$0x1f] =	wrdreg s22  }
0x32: {  	[spmem:s22], [sflag:s10] =	dma.local [hbm:s24], $0x500  }
0x33: {  	_ =	swait.ge [sflag:s28], $0x500  }
0x34: {  	[sflag:s28] =	ssyncset.done $0x0  }
0x35: {  	[sflag:s28] =	ssyncadd.s32 $0xFFFFFB00  }
0x36: {  	[tilespmem:$0x5280] =	vst v0  }
0x37: {  	[tilespmem:$0x5290] =	vst v0  }
0x38: {  	[tilespmem:$0x52A0] =	vst v0  }
0x39: {  	[tilespmem:$0x52B0] =	vst v0  }
0x3a: {  	[tilespmem:$0x52C0] =	vst v0  }
0x3b: {  	[tilespmem:$0x52D0] =	vst v0  }
0x3c: {  	[tilespmem:$0x52E0] =	vst v0  }
0x3d: {  	[tilespmem:$0x52F0] =	vst v0  }
0x3e: {  	[tilespmem:$0x5300] =	vst v0  }
0x3f: {  	[tilespmem:$0x5310] =	vst v0  }
0x40: {  	[tilespmem:$0x5320] =	vst v0  }
0x41: {  	[tilespmem:$0x5330] =	vst v0  }
0x42: {  	[tilespmem:$0x5340] =	vst v0  }
0x43: {  	[tilespmem:$0x5350] =	vst v0  }
0x44: {  	[tilespmem:$0x5360] =	vst v0  }
0x45: {  	[tilespmem:$0x5370] =	vst v0  }
0x46: {  	[tilespmem:$0x5380] =	vst v0  }
0x47: {  	[tilespmem:$0x5390] =	vst v0  }
0x48: {  	[tilespmem:$0x53A0] =	vst v0  }
0x49: {  	[tilespmem:$0x53B0] =	vst v0  }
0x4a: {  	[tilespmem:$0x53C0] =	vst v0  }
0x4b: {  	[tilespmem:$0x53D0] =	vst v0  }
0x4c: {  	[tilespmem:$0x53E0] =	vst v0  }
0x4d: {  	[tilespmem:$0x53F0] =	vst v0  }
0x4e: {  	[tilespmem:$0x5400] =	vst v0  }
0x4f: {  	[tilespmem:$0x5410] =	vst v0  }
0x50: {  	[tilespmem:$0x5420] =	vst v0  }
0x51: {  	[tilespmem:$0x5430] =	vst v0  }
0x52: {  	[tilespmem:$0x5440] =	vst v0  }
0x53: {  	[tilespmem:$0x5450] =	vst v0  }
0x54: {  	[tilespmem:$0x5460] =	vst v0  }
0x55: {  	[tilespmem:$0x5470] =	vst v0  }
0x56: {  	[tilespmem:$0x5480] =	vst v0  }
0x57: {  	[tilespmem:$0x5490] =	vst v0  }
0x58: {  	[tilespmem:$0x54A0] =	vst v0  }
0x59: {  	[tilespmem:$0x54B0] =	vst v0  }
0x5a: {  	[tilespmem:$0x54C0] =	vst v0  }
0x5b: {  	[tilespmem:$0x54D0] =	vst v0  }
0x5c: {  	[tilespmem:$0x54E0] =	vst v0  }
0x5d: {  	[tilespmem:$0x54F0] =	vst v0  }
0x5e: {  	[tilespmem:$0x5500] =	vst v0  }
0x5f: {  	[tilespmem:$0x5510] =	vst v0  }
0x60: {  	[tilespmem:$0x5520] =	vst v0  }
0x61: {  	[tilespmem:$0x5530] =	vst v0  }
0x62: {  	[tilespmem:$0x5540] =	vst v0  }
0x63: {  	[tilespmem:$0x5550] =	vst v0  }
0x64: {  	[tilespmem:$0x5560] =	vst v0  }
0x65: {  	[tilespmem:$0x5570] =	vst v0  }
0x66: {  	[tilespmem:$0x5580] =	vst v0  }
0x67: {  	[tilespmem:$0x5590] =	vst v0  }
0x68: {  	[tilespmem:$0x55A0] =	vst v0  }
0x69: {  	[tilespmem:$0x55B0] =	vst v0  }
0x6a: {  	[tilespmem:$0x55C0] =	vst v0  }
0x6b: {  	[tilespmem:$0x55D0] =	vst v0  }
0x6c: {  	[tilespmem:$0x55E0] =	vst v0  }
0x6d: {  	[tilespmem:$0x55F0] =	vst v0  }
0x6e: {  	[tilespmem:$0x5600] =	vst v0  }
0x6f: {  	[tilespmem:$0x5610] =	vst v0  }
0x70: {  	[tilespmem:$0x5620] =	vst v0  }
0x71: {  	[tilespmem:$0x5630] =	vst v0  }
0x72: {  	[tilespmem:$0x5640] =	vst v0  }
0x73: {  	[tilespmem:$0x5650] =	vst v0  }
0x74: {  	[tilespmem:$0x5660] =	vst v0  }
0x75: {  	[tilespmem:$0x5670] =	vst v0  }
0x76: {  	[tilespmem:$0x5680] =	vst v0  }
0x77: {  	[tilespmem:$0x5690] =	vst v0  }
0x78: {  	[tilespmem:$0x56A0] =	vst v0  }
0x79: {  	[tilespmem:$0x56B0] =	vst v0  }
0x7a: {  	[tilespmem:$0x56C0] =	vst v0  }
0x7b: {  	[tilespmem:$0x56D0] =	vst v0  }
0x7c: {  	[tilespmem:$0x56E0] =	vst v0  }
0x7d: {  	[tilespmem:$0x56F0] =	vst v0  }
0x7e: {  	[tilespmem:$0x5700] =	vst v0  }
0x7f: {  	[tilespmem:$0x5710] =	vst v0  }
0x80: {  	[tilespmem:$0x5720] =	vst v0  }
0x81: {  	[tilespmem:$0x5730] =	vst v0  }
0x82: {  	[tilespmem:$0x5740] =	vst v0  }
0x83: {  	[tilespmem:$0x5750] =	vst v0  }
0x84: {  	[tilespmem:$0x5760] =	vst v0  }
0x85: {  	[tilespmem:$0x5770] =	vst v0  }
0x86: {  	[bflag:$0x0] =	sbarrier.arrive $0xFFFF  }
0x87: {  	s25 =	rddreg [dreg:$0x10]  }
0x88: {  	[tilespmem:s5], [sflag:$0x1] =	stream.linear.gather [hbm4b:s25+s5], $0x50, $0x38;
	[tilespmem:$0x1BF80] =	vst v63  }
0x89: {  	s26 =	rddreg [dreg:$0x11]  }
0x8a: {  	[tilespmem:s29], [sflag:$0x1] =	stream.linear.gather [hbm4b:s26+s5], $0x50, $0x38;
	[tilespmem:$0x1BF80] =	vst v63  }
0x8b: {  	s23 =	rddreg [dreg:$0x12]  }
0x8c: {  	[tilespmem:s30], [sflag:$0x2] =	stream.linear.gather [hbm4b:s23+s5], $0x50, $0x38;
	[tilespmem:$0x1BF80] =	vst v63  }
0x8d: {  	s24 =	rddreg [dreg:$0x13]  }
0x8e: {  	[tilespmem:s31], [sflag:$0x2] =	stream.linear.gather [hbm4b:s24+s5], $0x50, $0x38;
	[tilespmem:$0x1BF80] =	vst v63  }
0x8f: {  	s25 =	rddreg [dreg:$0x14]  }
0x90: {  	[tilespmem:s0], [sflag:$0x3] =	stream.linear.gather [hbm4b:s25+s5], $0x50, $0x38;
	[tilespmem:$0x1BF80] =	vst v63  }
0x91: {  	s26 =	rddreg [dreg:$0x15]  }
0x92: {  	[tilespmem:s3], [sflag:$0x3] =	stream.linear.gather [hbm4b:s26+s5], $0x50, $0x38;
	[tilespmem:$0x1BF80] =	vst v63  }
0x93: {  	s23 =	rddreg [dreg:$0x17]  }
0x94: {  	[tilespmem:s8], [sflag:$0x4] =	stream.linear.gather [hbm4b:s23+s5], $0x50, $0x38;
	[tilespmem:$0x1BF80] =	vst v63  }
0x95: {  	s24 =	rddreg [dreg:$0x18]  }
0x96: {  	[tilespmem:s9], [sflag:$0x4] =	stream.linear.gather [hbm4b:s24+s5], $0x50, $0x38;
	[tilespmem:$0x1BF80] =	vst v63  }
0x97: {  	_ =	swait.ge [sflag:s11], $0x50  }
0x98: {  	[sflag:s11] =	ssyncset.done $0x0  }
0x99: {  	[sflag:s11] =	ssyncadd.s32 $0xFFFFFFB0  }
0x9a: {  	_ =	swait.ge [sflag:s11], $0x50  }
0x9b: {  	[sflag:s11] =	ssyncset.done $0x0  }
0x9c: {  	[sflag:s11] =	ssyncadd.s32 $0xFFFFFFB0  }
0x9d: {  	[tilespmem:s12], [sflag:$0x5] =	stream.indirect.gather [hbm4b:s1+s30], $0x80, s5, s30, $0xb8;
	[tilespmem:$0x1BF80] =	vst v63  }
0x9e: {  	_ =	swait.ge [sflag:s13], $0x50  }
0x9f: {  	[sflag:s13] =	ssyncset.done $0x0  }
0xa0: {  	[sflag:s13] =	ssyncadd.s32 $0xFFFFFFB0  }
0xa1: {  	_ =	swait.ge [sflag:s13], $0x50  }
0xa2: {  	[sflag:s13] =	ssyncset.done $0x0  }
0xa3: {  	[sflag:s13] =	ssyncadd.s32 $0xFFFFFFB0  }
0xa4: {  	[tilespmem:s14], [sflag:$0x6] =	stream.indirect.gather [hbm4b:s1+s30], $0x80, s30, s30, $0xb8;
	[tilespmem:$0x1BF80] =	vst v63  }
0xa5: {  	_ =	swait.ge [sflag:s15], $0x2800  }
0xa6: {  	[sflag:s15] =	ssyncset.done $0x0  }
0xa7: {  	[sflag:s15] =	ssyncadd.s32 $0xFFFFD800  }
0xa8: {  	[spmem:s2] =	stream.indirect.scatter.add.f32 [tilespmem:s12], [sflag:$0x7], $0x80, s29, s30, $0xb8;
	[tilespmem:$0x1BF80] =	vst v63  }
0xa9: {  	_ = 	snop  }
0xaa: {  	[spmem:s4] =	stream.indirect.scatter.add.f32 [tilespmem:s16], [sflag:$0x7], $0x10, s29, s30, $0xb8;
	[tilespmem:$0x1BF80] =	vst v63  }
0xab: {  	_ =	swait.ge [sflag:s17], $0x2800  }
0xac: {  	[sflag:s17] =	ssyncset.done $0x0  }
0xad: {  	[sflag:s17] =	ssyncadd.s32 $0xFFFFD800  }
0xae: {  	_ =	swait.ge [sflag:s17], $0x500  }
0xaf: {  	s22 =	rddreg [dreg:$0x1d]  }
0xb0: {  	[sflag:s17] =	ssyncset.done $0x0;
	s24 =	sshrl.u32 s22, $0x3  }
0xb1: {  	[sflag:s17] =	ssyncadd.s32 $0xFFFFFB00;
	s25 =	sadd.s32 s6, s24  }
0xb2: {  	[tilespmem:s5], [sflag:$0x1] =	stream.linear.gather [hbm4b:s25+s5], $0x50, $0x38;
	[tilespmem:$0x1BF80] =	vst v63  }
0xb3: {  	s24 =	sadd.s32 s7, s24  }
0xb4: {  	[tilespmem:s29], [sflag:$0x1] =	stream.linear.gather [hbm4b:s24+s5], $0x50, $0x38;
	[tilespmem:$0x1BF80] =	vst v63  }
0xb5: {  	_ =	swait.ge [sflag:s18], $0x50  }
0xb6: {  	[sflag:s18] =	ssyncset.done $0x0  }
0xb7: {  	[sflag:s18] =	ssyncadd.s32 $0xFFFFFFB0  }
0xb8: {  	_ =	swait.ge [sflag:s18], $0x50  }
0xb9: {  	[sflag:s18] =	ssyncset.done $0x0  }
0xba: {  	[sflag:s18] =	ssyncadd.s32 $0xFFFFFFB0  }
0xbb: {  	[tilespmem:s12], [sflag:$0x5] =	stream.indirect.gather [hbm4b:s1+s30], $0x80, s0, s30, $0xb8;
	[tilespmem:$0x1BF80] =	vst v63  }
0xbc: {  	_ =	swait.ge [sflag:s19], $0x2800  }
0xbd: {  	[sflag:s19] =	ssyncset.done $0x0  }
0xbe: {  	[sflag:s19] =	ssyncadd.s32 $0xFFFFD800  }
0xbf: {  	[spmem:s2] =	stream.indirect.scatter.add.f32 [tilespmem:s14], [sflag:$0x7], $0x80, s31, s30, $0xb8;
	[tilespmem:$0x1BF80] =	vst v63  }
0xc0: {  	_ = 	snop  }
0xc1: {  	[spmem:s4] =	stream.indirect.scatter.add.f32 [tilespmem:s16], [sflag:$0x7], $0x10, s31, s30, $0xb8;
	[tilespmem:$0x1BF80] =	vst v63  }
0xc2: {  	_ =	swait.ge [sflag:s17], $0x2800  }
0xc3: {  	[sflag:s17] =	ssyncset.done $0x0  }
0xc4: {  	[sflag:s17] =	ssyncadd.s32 $0xFFFFD800  }
0xc5: {  	_ =	swait.ge [sflag:s17], $0x500  }
0xc6: {  	s25 =	rddreg [dreg:$0xb];
	[sflag:s17] =	ssyncset.done $0x0  }
0xc7: {  	s26 =	rddreg [dreg:$0xa];
	[sflag:s17] =	ssyncadd.s32 $0xFFFFFB00;
	s24 =	sadd.s32 $0x0, s25  }
0xc8: {  	[tilespmem:s30], [sflag:$0x2] =	stream.linear.gather [hbm4b:s24+s5], $0x50, $0x38;
	[tilespmem:$0x1BF80] =	vst v63  }
0xc9: {  	s23 =	sadd.s32 $0x0, s26  }
0xca: {  	[tilespmem:s31], [sflag:$0x2] =	stream.linear.gather [hbm4b:s23+s5], $0x50, $0x38;
	[tilespmem:$0x1BF80] =	vst v63  }
0xcb: {  	_ =	swait.ge [sflag:s20], $0x50  }
0xcc: {  	[sflag:s20] =	ssyncset.done $0x0  }
0xcd: {  	[sflag:s20] =	ssyncadd.s32 $0xFFFFFFB0  }
0xce: {  	_ =	swait.ge [sflag:s20], $0x50  }
0xcf: {  	[sflag:s20] =	ssyncset.done $0x0  }
0xd0: {  	[sflag:s20] =	ssyncadd.s32 $0xFFFFFFB0  }
0xd1: {  	[tilespmem:s14], [sflag:$0x6] =	stream.indirect.gather [hbm4b:s1+s30], $0x80, s8, s30, $0xb8;
	[tilespmem:$0x1BF80] =	vst v63  }
0xd2: {  	_ =	swait.ge [sflag:s15], $0x2800  }
0xd3: {  	[sflag:s15] =	ssyncset.done $0x0  }
0xd4: {  	[sflag:s15] =	ssyncadd.s32 $0xFFFFD800  }
0xd5: {  	[spmem:s2] =	stream.indirect.scatter.add.f32 [tilespmem:s12], [sflag:$0x7], $0x80, s3, s30, $0xb8;
	[tilespmem:$0x1BF80] =	vst v63  }
0xd6: {  	_ = 	snop  }
0xd7: {  	[spmem:s4] =	stream.indirect.scatter.add.f32 [tilespmem:s16], [sflag:$0x7], $0x10, s3, s30, $0xb8;
	[tilespmem:$0x1BF80] =	vst v63  }
0xd8: {  	_ =	swait.ge [sflag:s17], $0x2800  }
0xd9: {  	[sflag:s17] =	ssyncset.done $0x0  }
0xda: {  	[sflag:s17] =	ssyncadd.s32 $0xFFFFD800  }
0xdb: {  	_ =	swait.ge [sflag:s17], $0x500  }
0xdc: {  	s25 =	rddreg [dreg:$0x9];
	[sflag:s17] =	ssyncset.done $0x0  }
0xdd: {  	s26 =	rddreg [dreg:$0x8];
	[sflag:s17] =	ssyncadd.s32 $0xFFFFFB00;
	s24 =	sadd.s32 $0x0, s25  }
0xde: {  	[tilespmem:s0], [sflag:$0x3] =	stream.linear.gather [hbm4b:s24+s5], $0x50, $0x38;
	[tilespmem:$0x1BF80] =	vst v63  }
0xdf: {  	s23 =	sadd.s32 $0x0, s26  }
0xe0: {  	[tilespmem:s3], [sflag:$0x3] =	stream.linear.gather [hbm4b:s23+s5], $0x50, $0x38;
	[tilespmem:$0x1BF80] =	vst v63  }
0xe1: {  	_ =	swait.ge [sflag:s11], $0x50  }
0xe2: {  	[sflag:s11] =	ssyncset.done $0x0  }
0xe3: {  	[sflag:s11] =	ssyncadd.s32 $0xFFFFFFB0  }
0xe4: {  	_ =	swait.ge [sflag:s11], $0x50  }
0xe5: {  	[sflag:s11] =	ssyncset.done $0x0  }
0xe6: {  	[sflag:s11] =	ssyncadd.s32 $0xFFFFFFB0  }
0xe7: {  	[tilespmem:s12], [sflag:$0x5] =	stream.indirect.gather [hbm4b:s1+s30], $0x80, s5, s30, $0xb8;
	[tilespmem:$0x1BF80] =	vst v63  }
0xe8: {  	_ =	swait.ge [sflag:s19], $0x2800  }
0xe9: {  	[sflag:s19] =	ssyncset.done $0x0  }
0xea: {  	[sflag:s19] =	ssyncadd.s32 $0xFFFFD800  }
0xeb: {  	[spmem:s2] =	stream.indirect.scatter.add.f32 [tilespmem:s14], [sflag:$0x7], $0x80, s9, s30, $0xb8;
	[tilespmem:$0x1BF80] =	vst v63  }
0xec: {  	_ = 	snop  }
0xed: {  	[spmem:s4] =	stream.indirect.scatter.add.f32 [tilespmem:s16], [sflag:$0x7], $0x10, s9, s30, $0xb8;
	[tilespmem:$0x1BF80] =	vst v63  }
0xee: {  	_ =	swait.ge [sflag:s17], $0x2800  }
0xef: {  	[sflag:s17] =	ssyncset.done $0x0  }
0xf0: {  	[sflag:s17] =	ssyncadd.s32 $0xFFFFD800  }
0xf1: {  	_ =	swait.ge [sflag:s17], $0x500  }
0xf2: {  	s25 =	rddreg [dreg:$0x7];
	[sflag:s17] =	ssyncset.done $0x0  }
0xf3: {  	s26 =	rddreg [dreg:$0x6];
	[sflag:s17] =	ssyncadd.s32 $0xFFFFFB00;
	s24 =	sadd.s32 $0x0, s25  }
0xf4: {  	[tilespmem:s8], [sflag:$0x4] =	stream.linear.gather [hbm4b:s24+s5], $0x50, $0x38;
	[tilespmem:$0x1BF80] =	vst v63  }
0xf5: {  	s26 =	sadd.s32 $0x0, s26;
	s25 =	sadd.s32 $0x140, s22;
	s24 =	simm.s32 $0x28  }
.LBB2_2:
0xf6: {  	[tilespmem:s9], [sflag:$0x4] =	stream.linear.gather [hbm4b:s26+s5], $0x50, $0x38;
	[tilespmem:$0x1BF80] =	vst v63  }
0xf7: {  	_ =	swait.ge [sflag:s13], $0x50  }
0xf8: {  	[sflag:s13] =	ssyncset.done $0x0  }
0xf9: {  	[sflag:s13] =	ssyncadd.s32 $0xFFFFFFB0  }
0xfa: {  	_ =	swait.ge [sflag:s13], $0x50  }
0xfb: {  	[sflag:s13] =	ssyncset.done $0x0  }
0xfc: {  	[sflag:s13] =	ssyncadd.s32 $0xFFFFFFB0  }
0xfd: {  	[tilespmem:s14], [sflag:$0x6] =	stream.indirect.gather [hbm4b:s1+s30], $0x80, s30, s30, $0xb8;
	[tilespmem:$0x1BF80] =	vst v63  }
0xfe: {  	_ =	swait.ge [sflag:s15], $0x2800  }
0xff: {  	[sflag:s15] =	ssyncset.done $0x0  }
0x100: {  	[sflag:s15] =	ssyncadd.s32 $0xFFFFD800  }
0x101: {  	[spmem:s2] =	stream.indirect.scatter.add.f32 [tilespmem:s12], [sflag:$0x7], $0x80, s29, s30, $0xb8;
	[tilespmem:$0x1BF80] =	vst v63  }
0x102: {  	_ = 	snop  }
0x103: {  	[spmem:s4] =	stream.indirect.scatter.add.f32 [tilespmem:s16], [sflag:$0x7], $0x10, s29, s30, $0xb8;
	[tilespmem:$0x1BF80] =	vst v63  }
0x104: {  	_ =	swait.ge [sflag:s17], $0x2800  }
0x105: {  	[sflag:s17] =	ssyncset.done $0x0  }
0x106: {  	[sflag:s17] =	ssyncadd.s32 $0xFFFFD800  }
0x107: {  	_ =	swait.ge [sflag:s17], $0x500  }
0x108: {  	s22 =	sshrl.u32 s25, $0x3;
	[sflag:s17] =	ssyncset.done $0x0  }
0x109: {  	s23 =	sadd.s32 s6, s22;
	[sflag:s17] =	ssyncadd.s32 $0xFFFFFB00  }
0x10a: {  	[tilespmem:s5], [sflag:$0x1] =	stream.linear.gather [hbm4b:s23+s5], $0x50, $0x38;
	[tilespmem:$0x1BF80] =	vst v63  }
0x10b: {  	s22 =	sadd.s32 s7, s22  }
0x10c: {  	[tilespmem:s29], [sflag:$0x1] =	stream.linear.gather [hbm4b:s22+s5], $0x50, $0x38;
	[tilespmem:$0x1BF80] =	vst v63  }
0x10d: {  	_ =	swait.ge [sflag:s18], $0x50  }
0x10e: {  	[sflag:s18] =	ssyncset.done $0x0  }
0x10f: {  	[sflag:s18] =	ssyncadd.s32 $0xFFFFFFB0  }
0x110: {  	_ =	swait.ge [sflag:s18], $0x50  }
0x111: {  	[sflag:s18] =	ssyncset.done $0x0  }
0x112: {  	[sflag:s18] =	ssyncadd.s32 $0xFFFFFFB0  }
0x113: {  	[tilespmem:s12], [sflag:$0x5] =	stream.indirect.gather [hbm4b:s1+s30], $0x80, s0, s30, $0xb8;
	[tilespmem:$0x1BF80] =	vst v63  }
0x114: {  	_ =	swait.ge [sflag:s19], $0x2800  }
0x115: {  	[sflag:s19] =	ssyncset.done $0x0  }
0x116: {  	[sflag:s19] =	ssyncadd.s32 $0xFFFFD800  }
0x117: {  	[spmem:s2] =	stream.indirect.scatter.add.f32 [tilespmem:s14], [sflag:$0x7], $0x80, s31, s30, $0xb8;
	[tilespmem:$0x1BF80] =	vst v63  }
0x118: {  	_ = 	snop  }
0x119: {  	[spmem:s4] =	stream.indirect.scatter.add.f32 [tilespmem:s16], [sflag:$0x7], $0x10, s31, s30, $0xb8;
	[tilespmem:$0x1BF80] =	vst v63  }
0x11a: {  	_ =	swait.ge [sflag:s17], $0x2800  }
0x11b: {  	[sflag:s17] =	ssyncset.done $0x0  }
0x11c: {  	[sflag:s17] =	ssyncadd.s32 $0xFFFFD800  }
0x11d: {  	_ =	swait.ge [sflag:s17], $0x500  }
0x11e: {  	s26 =	smov.u32 s24;
	s22 =	rddreg [dreg:$0xb];
	[sflag:s17] =	ssyncset.done $0x0  }
0x11f: {  	s23 =	rddreg [dreg:$0xa];
	[sflag:s17] =	ssyncadd.s32 $0xFFFFFB00;
	s22 =	sadd.s32 s26, s22  }
0x120: {  	[tilespmem:s30], [sflag:$0x2] =	stream.linear.gather [hbm4b:s22+s5], $0x50, $0x38;
	[tilespmem:$0x1BF80] =	vst v63  }
0x121: {  	s23 =	sadd.s32 s26, s23  }
0x122: {  	[tilespmem:s31], [sflag:$0x2] =	stream.linear.gather [hbm4b:s23+s5], $0x50, $0x38;
	[tilespmem:$0x1BF80] =	vst v63  }
0x123: {  	_ =	swait.ge [sflag:s20], $0x50  }
0x124: {  	[sflag:s20] =	ssyncset.done $0x0  }
0x125: {  	[sflag:s20] =	ssyncadd.s32 $0xFFFFFFB0  }
0x126: {  	_ =	swait.ge [sflag:s20], $0x50  }
0x127: {  	[sflag:s20] =	ssyncset.done $0x0  }
0x128: {  	[sflag:s20] =	ssyncadd.s32 $0xFFFFFFB0  }
0x129: {  	[tilespmem:s14], [sflag:$0x6] =	stream.indirect.gather [hbm4b:s1+s30], $0x80, s8, s30, $0xb8;
	[tilespmem:$0x1BF80] =	vst v63  }
0x12a: {  	_ =	swait.ge [sflag:s15], $0x2800  }
0x12b: {  	[sflag:s15] =	ssyncset.done $0x0  }
0x12c: {  	[sflag:s15] =	ssyncadd.s32 $0xFFFFD800  }
0x12d: {  	[spmem:s2] =	stream.indirect.scatter.add.f32 [tilespmem:s12], [sflag:$0x7], $0x80, s3, s30, $0xb8;
	[tilespmem:$0x1BF80] =	vst v63  }
0x12e: {  	_ = 	snop  }
0x12f: {  	[spmem:s4] =	stream.indirect.scatter.add.f32 [tilespmem:s16], [sflag:$0x7], $0x10, s3, s30, $0xb8;
	[tilespmem:$0x1BF80] =	vst v63  }
0x130: {  	_ =	swait.ge [sflag:s17], $0x2800  }
0x131: {  	[sflag:s17] =	ssyncset.done $0x0  }
0x132: {  	[sflag:s17] =	ssyncadd.s32 $0xFFFFD800  }
0x133: {  	_ =	swait.ge [sflag:s17], $0x500  }
0x134: {  	s22 =	rddreg [dreg:$0x9];
	[sflag:s17] =	ssyncset.done $0x0  }
0x135: {  	s23 =	rddreg [dreg:$0x8];
	[sflag:s17] =	ssyncadd.s32 $0xFFFFFB00;
	s22 =	sadd.s32 s26, s22  }
0x136: {  	[tilespmem:s0], [sflag:$0x3] =	stream.linear.gather [hbm4b:s22+s5], $0x50, $0x38;
	[tilespmem:$0x1BF80] =	vst v63  }
0x137: {  	s23 =	sadd.s32 s26, s23  }
0x138: {  	[tilespmem:s3], [sflag:$0x3] =	stream.linear.gather [hbm4b:s23+s5], $0x50, $0x38;
	[tilespmem:$0x1BF80] =	vst v63  }
0x139: {  	_ =	swait.ge [sflag:s11], $0x50  }
0x13a: {  	[sflag:s11] =	ssyncset.done $0x0  }
0x13b: {  	[sflag:s11] =	ssyncadd.s32 $0xFFFFFFB0  }
0x13c: {  	_ =	swait.ge [sflag:s11], $0x50  }
0x13d: {  	[sflag:s11] =	ssyncset.done $0x0  }
0x13e: {  	[sflag:s11] =	ssyncadd.s32 $0xFFFFFFB0  }
0x13f: {  	[tilespmem:s12], [sflag:$0x5] =	stream.indirect.gather [hbm4b:s1+s30], $0x80, s5, s30, $0xb8;
	[tilespmem:$0x1BF80] =	vst v63  }
0x140: {  	_ =	swait.ge [sflag:s19], $0x2800  }
0x141: {  	[sflag:s19] =	ssyncset.done $0x0  }
0x142: {  	[sflag:s19] =	ssyncadd.s32 $0xFFFFD800  }
0x143: {  	[spmem:s2] =	stream.indirect.scatter.add.f32 [tilespmem:s14], [sflag:$0x7], $0x80, s9, s30, $0xb8;
	[tilespmem:$0x1BF80] =	vst v63  }
0x144: {  	_ = 	snop  }
0x145: {  	[spmem:s4] =	stream.indirect.scatter.add.f32 [tilespmem:s16], [sflag:$0x7], $0x10, s9, s30, $0xb8;
	[tilespmem:$0x1BF80] =	vst v63  }
0x146: {  	_ =	swait.ge [sflag:s17], $0x2800  }
0x147: {  	[sflag:s17] =	ssyncset.done $0x0  }
0x148: {  	p0 =	sne.s32 s24, $0x488;
	[sflag:s17] =	ssyncadd.s32 $0xFFFFD800  }
.Ltmp0:
0x149: {  	_ =	swait.ge [sflag:s17], $0x500;
	(pc) =	sbr.rel @p0 .LBB2_2-.Ltmp0, $4  }
0x14a: {  	s24 =	sadd.s32 $0x28, s24;
	s22 =	rddreg [dreg:$0x7]  }
0x14b: {  	s25 =	sadd.s32 $0x140, s25;
	s23 =	rddreg [dreg:$0x6];
	[sflag:s17] =	ssyncset.done $0x0  }
0x14c: {  	[sflag:s17] =	ssyncadd.s32 $0xFFFFFB00;
	s22 =	sadd.s32 s26, s22;
	s26 =	sadd.s32 s26, s23  }
0x14d: {  	[tilespmem:s8], [sflag:$0x4] =	stream.linear.gather [hbm4b:s22+s5], $0x50, $0x38;
	[tilespmem:$0x1BF80] =	vst v63  }
0x14e: {  	[tilespmem:s9], [sflag:$0x4] =	stream.linear.gather [hbm4b:s26+s5], $0x50, $0x38;
	[tilespmem:$0x1BF80] =	vst v63  }
0x14f: {  	_ =	swait.ge [sflag:s13], $0x50  }
0x150: {  	[sflag:s13] =	ssyncset.done $0x0  }
0x151: {  	[sflag:s13] =	ssyncadd.s32 $0xFFFFFFB0  }
0x152: {  	_ =	swait.ge [sflag:s13], $0x50  }
0x153: {  	[sflag:s13] =	ssyncset.done $0x0  }
0x154: {  	[sflag:s13] =	ssyncadd.s32 $0xFFFFFFB0  }
0x155: {  	[tilespmem:s14], [sflag:$0x6] =	stream.indirect.gather [hbm4b:s1+s30], $0x80, s30, s30, $0xb8;
	[tilespmem:$0x1BF80] =	vst v63  }
0x156: {  	_ =	swait.ge [sflag:s15], $0x2800  }
0x157: {  	[sflag:s15] =	ssyncset.done $0x0  }
0x158: {  	[sflag:s15] =	ssyncadd.s32 $0xFFFFD800  }
0x159: {  	[spmem:s2] =	stream.indirect.scatter.add.f32 [tilespmem:s12], [sflag:$0x7], $0x80, s29, s30, $0xb8;
	[tilespmem:$0x1BF80] =	vst v63  }
0x15a: {  	_ = 	snop  }
0x15b: {  	[spmem:s4] =	stream.indirect.scatter.add.f32 [tilespmem:s16], [sflag:$0x7], $0x10, s29, s30, $0xb8;
	[tilespmem:$0x1BF80] =	vst v63  }
0x15c: {  	_ =	swait.ge [sflag:s17], $0x2800  }
0x15d: {  	[sflag:s17] =	ssyncset.done $0x0  }
0x15e: {  	[sflag:s17] =	ssyncadd.s32 $0xFFFFD800  }
0x15f: {  	_ =	swait.ge [sflag:s17], $0x500  }
0x160: {  	[sflag:s17] =	ssyncset.done $0x0  }
0x161: {  	s22 =	rddreg [dreg:$0x19];
	[sflag:s17] =	ssyncadd.s32 $0xFFFFFB00  }
0x162: {  	[tilespmem:s5], [sflag:$0x1] =	stream.linear.gather [hbm4b:s22+s5], $0x50, $0x38;
	[tilespmem:$0x1BF80] =	vst v63  }
0x163: {  	s25 =	rddreg [dreg:$0x1a]  }
0x164: {  	[tilespmem:s29], [sflag:$0x1] =	stream.linear.gather [hbm4b:s25+s5], $0x50, $0x38;
	[tilespmem:$0x1BF80] =	vst v63  }
0x165: {  	_ =	swait.ge [sflag:s18], $0x50  }
0x166: {  	[sflag:s18] =	ssyncset.done $0x0  }
0x167: {  	[sflag:s18] =	ssyncadd.s32 $0xFFFFFFB0  }
0x168: {  	_ =	swait.ge [sflag:s18], $0x50  }
0x169: {  	[sflag:s18] =	ssyncset.done $0x0  }
0x16a: {  	[sflag:s18] =	ssyncadd.s32 $0xFFFFFFB0  }
0x16b: {  	[tilespmem:s12], [sflag:$0x5] =	stream.indirect.gather [hbm4b:s1+s30], $0x80, s0, s30, $0xb8;
	[tilespmem:$0x1BF80] =	vst v63  }
0x16c: {  	_ =	swait.ge [sflag:s19], $0x2800  }
0x16d: {  	[sflag:s19] =	ssyncset.done $0x0  }
0x16e: {  	[sflag:s19] =	ssyncadd.s32 $0xFFFFD800  }
0x16f: {  	[spmem:s2] =	stream.indirect.scatter.add.f32 [tilespmem:s14], [sflag:$0x7], $0x80, s31, s30, $0xb8;
	[tilespmem:$0x1BF80] =	vst v63  }
0x170: {  	_ = 	snop  }
0x171: {  	[spmem:s4] =	stream.indirect.scatter.add.f32 [tilespmem:s16], [sflag:$0x7], $0x10, s31, s30, $0xb8;
	[tilespmem:$0x1BF80] =	vst v63  }
0x172: {  	_ =	swait.ge [sflag:s17], $0x2800  }
0x173: {  	[sflag:s17] =	ssyncset.done $0x0  }
0x174: {  	[sflag:s17] =	ssyncadd.s32 $0xFFFFD800  }
0x175: {  	_ =	swait.ge [sflag:s17], $0x500  }
0x176: {  	[sflag:s17] =	ssyncset.done $0x0  }
0x177: {  	[sflag:s17] =	ssyncadd.s32 $0xFFFFFB00  }
0x178: {  	_ =	swait.ge [sflag:s20], $0x50  }
0x179: {  	[sflag:s20] =	ssyncset.done $0x0  }
0x17a: {  	[sflag:s20] =	ssyncadd.s32 $0xFFFFFFB0  }
0x17b: {  	_ =	swait.ge [sflag:s20], $0x50  }
0x17c: {  	[sflag:s20] =	ssyncset.done $0x0  }
0x17d: {  	[sflag:s20] =	ssyncadd.s32 $0xFFFFFFB0  }
0x17e: {  	[tilespmem:s14], [sflag:$0x6] =	stream.indirect.gather [hbm4b:s1+s30], $0x80, s8, s30, $0xb8;
	[tilespmem:$0x1BF80] =	vst v63  }
0x17f: {  	_ =	swait.ge [sflag:s15], $0x2800  }
0x180: {  	[sflag:s15] =	ssyncset.done $0x0  }
0x181: {  	[sflag:s15] =	ssyncadd.s32 $0xFFFFD800  }
0x182: {  	[spmem:s2] =	stream.indirect.scatter.add.f32 [tilespmem:s12], [sflag:$0x7], $0x80, s3, s30, $0xb8;
	[tilespmem:$0x1BF80] =	vst v63  }
0x183: {  	_ = 	snop  }
0x184: {  	[spmem:s4] =	stream.indirect.scatter.add.f32 [tilespmem:s16], [sflag:$0x7], $0x10, s3, s30, $0xb8;
	[tilespmem:$0x1BF80] =	vst v63  }
0x185: {  	_ =	swait.ge [sflag:s17], $0x2800  }
0x186: {  	[sflag:s17] =	ssyncset.done $0x0  }
0x187: {  	[sflag:s17] =	ssyncadd.s32 $0xFFFFD800  }
0x188: {  	_ =	swait.ge [sflag:s17], $0x500  }
0x189: {  	[sflag:s17] =	ssyncset.done $0x0  }
0x18a: {  	[sflag:s17] =	ssyncadd.s32 $0xFFFFFB00  }
0x18b: {  	_ =	swait.ge [sflag:s11], $0x50  }
0x18c: {  	[sflag:s11] =	ssyncset.done $0x0  }
0x18d: {  	[sflag:s11] =	ssyncadd.s32 $0xFFFFFFB0  }
0x18e: {  	_ =	swait.ge [sflag:s11], $0x50  }
0x18f: {  	[sflag:s11] =	ssyncset.done $0x0  }
0x190: {  	[sflag:s11] =	ssyncadd.s32 $0xFFFFFFB0  }
0x191: {  	[tilespmem:s12], [sflag:$0x5] =	stream.indirect.gather [hbm4b:s1+s30], $0x80, s5, s30, $0xb8;
	[tilespmem:$0x1BF80] =	vst v63  }
0x192: {  	_ =	swait.ge [sflag:s19], $0x2800  }
0x193: {  	[sflag:s19] =	ssyncset.done $0x0  }
0x194: {  	[sflag:s19] =	ssyncadd.s32 $0xFFFFD800  }
0x195: {  	[spmem:s2] =	stream.indirect.scatter.add.f32 [tilespmem:s14], [sflag:$0x7], $0x80, s9, s30, $0xb8;
	[tilespmem:$0x1BF80] =	vst v63  }
0x196: {  	_ = 	snop  }
0x197: {  	[spmem:s4] =	stream.indirect.scatter.add.f32 [tilespmem:s16], [sflag:$0x7], $0x10, s9, s30, $0xb8;
	[tilespmem:$0x1BF80] =	vst v63  }
0x198: {  	_ =	swait.ge [sflag:s17], $0x2800  }
0x199: {  	[sflag:s17] =	ssyncset.done $0x0  }
0x19a: {  	[sflag:s17] =	ssyncadd.s32 $0xFFFFD800  }
0x19b: {  	_ =	swait.ge [sflag:s17], $0x500  }
0x19c: {  	[sflag:s17] =	ssyncset.done $0x0  }
0x19d: {  	[sflag:s17] =	ssyncadd.s32 $0xFFFFFB00  }
0x19e: {  	_ =	swait.ge [sflag:s15], $0x2800  }
0x19f: {  	[sflag:s15] =	ssyncset.done $0x0  }
0x1a0: {  	[sflag:s15] =	ssyncadd.s32 $0xFFFFD800  }
0x1a1: {  	[spmem:s2] =	stream.indirect.scatter.add.f32 [tilespmem:s12], [sflag:$0x7], $0x80, s29, s30, $0xb8;
	[tilespmem:$0x1BF80] =	vst v63  }
0x1a2: {  	_ = 	snop  }
0x1a3: {  	[spmem:s4] =	stream.indirect.scatter.add.f32 [tilespmem:s16], [sflag:$0x7], $0x10, s29, s30, $0xb8;
	[tilespmem:$0x1BF80] =	vst v63  }
0x1a4: {  	_ =	swait.ge [sflag:s17], $0x2800  }
0x1a5: {  	[sflag:s17] =	ssyncset.done $0x0  }
0x1a6: {  	[sflag:s17] =	ssyncadd.s32 $0xFFFFD800  }
0x1a7: {  	_ =	swait.ge [sflag:s17], $0x500  }
0x1a8: {  	[sflag:s17] =	ssyncset.done $0x0  }
0x1a9: {  	[sflag:s17] =	ssyncadd.s32 $0xFFFFFB00  }
0x1aa: {  	[bflag:$0x0] =	sbarrier.arrive $0xFFFF  }
0x1ab: {  	s26 =	rddreg [dreg:$0x1b]  }
0x1ac: {  	s23 =	rddreg [dreg:$0x1e]  }
0x1ad: {  	[hbm:s26], [sflag:s10] =	dma.local [spmem:s23], $0x2800  }
0x1ae: {  	_ =	swait.ge [sflag:s28], $0x2800  }
0x1af: {  	[sflag:s28] =	ssyncset.done $0x0;
	s24 =	rddreg [dreg:$0x16]  }
0x1b0: {  	s25 =	rddreg [dreg:$0x1f];
	[sflag:s28] =	ssyncadd.s32 $0xFFFFD800  }
0x1b1: {  	[hbm:s24], [sflag:s10] =	dma.local [spmem:s25], $0x500  }
0x1b2: {  	_ =	swait.ge [sflag:s28], $0x500  }
0x1b3: {  	s21 =	sadd.s32 $0x1, s21;
	s26 =	rddreg [dreg:$0x1c]  }
0x1b4: {  	p0 =	sne.s32 s21, s26  }
.Ltmp1:
0x1b5: {  	_ = 	snop;
	(pc) =	sbr.rel @p0 .LBB2_1-.Ltmp1, $3  }
0x1b6: {  	_ =	sdelay $0x1  }
0x1b7: {  	[sflag:s28] =	ssyncset.done $0x0  }
0x1b8: {  	[sflag:s28] =	ssyncadd.s32 $0xFFFFFB00  }
0x1b9: {  	_ =	sfence.sel $0x180000  }
0x1ba: {  	[bflag:$0x0] =	sbarrier.arrive $0xFFFF  }
0x1bb: {  	_ =	strace $0x90000047  }
0x1bc: {  	s0 =	stileid.u32;
	[bflag:$0x2] =	sbarrier.arrive $0xFFFF  }
0x1bd: {  	p0 =	sne.s32 s0, $0x0;
	s0 =	rddreg [dreg:$0x5]  }
0x1be: {  	s0 =	sadd.s32 @!p0 $0x100000, s0  }
0x1bf: {  	[sflag:s0] =	ssyncadd.tile.s32 @!p0 $0x1;
	_ =	shalt  }
.Lfunc_end2:
_tile_overlayer_lowered:
.L_overlay_start_2:
0x1c0: {  	(tag) =	ssettag $0x2  }
0x1c1: {  	s0 =	rddreg [dreg:$0x0];
	s2 =	stileid.u32  }
0x1c2: {  	s1 =	rddreg [dreg:$0x1];
	p0 =	sne.s32 s2, $0x0  }
0x1c3: {  	s3 =	rddreg [dreg:$0x2];
	[bflag:$0x3] =	sbarrier.arrive $0xFFFF;
	s2 =	simm.s32 @!p0 $0x1C08  }
0x1c4: {  	[timem:s3], [sflag:s2] =	dma.local @!p0 [hbm:s0], s1  }
0x1c5: {  	s0 =	simm.s32 @!p0 $0x8  }
0x1c6: {  	_ =	swait.ge @!p0 [sflag:s0], s1  }
0x1c7: {  	s1 =	ssub.s32 @!p0 $0x0, s1;
	[sflag:s0] =	ssyncset.done @!p0 $0x0  }
0x1c8: {  	[sflag:s0] =	ssyncadd.s32 @!p0 s1  }
0x1c9: {  	[bflag:$0x3] =	sbarrier.arrive $0xFFFF  }
0x1ca: {  	_ =	shalt  }

</sc_bundles>
